<compile_context>
chip_gen: v7x
topology: tpu7x:2x2x1
jax: 0.10.2.dev20260603
libtpu: 0.0.44.dev20260713+nightly
codegen_flags: <defaults>
</compile_context>

<pallas_src>
import functools

import jax
import jax.numpy as jnp
from jax import lax
from jax.experimental import pallas as pl
from jax.experimental.pallas import tpu as pltpu
from jax.experimental.pallas import tpu_sc as plsc

B, S, D, H, E, K, F, NC = 1, 2048, 768, 12, 64, 2, 768, 8
DH = D // H
CAP = (2 * S * K) // E
EPS = 1e-5
SBLK = 512
NSB = S // SBLK
NEG = -1e30
ABLK = 2048

_SC_CORES = 2
_SC_SUBCORES = 16
_NW = _SC_CORES * _SC_SUBCORES


def _ln_rows(x, s, b):
    m = jnp.mean(x, axis=-1, keepdims=True)
    v = jnp.mean((x - m) ** 2, axis=-1, keepdims=True)
    return (x - m) / jnp.sqrt(v + EPS) * s + b


def _qkv_kernel(x_ref, ls_ref, lb_ref, w_ref, b_ref,
                q3_ref, k3_ref, v3_ref):
    x = x_ref[...]
    xln = _ln_rows(x, ls_ref[...], lb_ref[...])
    qkv = lax.dot_general(xln, w_ref[...], (((1,), (1,)), ((), ())),
                          preferred_element_type=jnp.float32)
    qkvb = (qkv + b_ref[...]).astype(jnp.bfloat16)
    for h in range(H):
        q3_ref[h] = qkvb[:, DH * h:DH * (h + 1)]
        k3_ref[h] = qkvb[:, D + DH * h:D + DH * (h + 1)]
        v3_ref[h] = qkvb[:, 2 * D + DH * h:2 * D + DH * (h + 1)]


def _attn_kernel(q_ref, k_ref, v_ref, o_ref):
    q = q_ref[0]
    k = k_ref[0]
    v = v_ref[0]
    s = lax.dot_general(q, k, (((1,), (1,)), ((), ())),
                        preferred_element_type=jnp.float32) * (1.0 / 8.0)
    e = jnp.exp(s)
    p = e * (1.0 / jnp.sum(e, axis=1, keepdims=True))
    o_ref[0] = jnp.dot(p.astype(jnp.bfloat16), v,
                       preferred_element_type=jnp.float32)


def _router_kernel(x_ref, ao_ref, wo_ref, bo_ref, l2s_ref, l2b_ref,
                   wg_ref, wc_ref, cb_ref,
                   xa_ref, h2_ref, s1_ref, s2_ref, k1_ref, k2_ref,
                   c1_ref, c2_ref, carry_ref):
    i = pl.program_id(0)

    @pl.when(i == 0)
    def _():
        carry_ref[...] = jnp.zeros_like(carry_ref)

    ao = jnp.concatenate([ao_ref[h] for h in range(H)], axis=1)
    xa = x_ref[...] + lax.dot_general(
        ao, wo_ref[...], (((1,), (1,)), ((), ())),
        preferred_element_type=jnp.float32) + bo_ref[...]
    xa_ref[...] = xa
    h2 = _ln_rows(xa, l2s_ref[...], l2b_ref[...])
    h2_ref[...] = h2

    cl = jnp.dot(h2, wc_ref[...], preferred_element_type=jnp.float32)
    cm = jnp.max(cl, axis=1, keepdims=True)
    ciota = lax.broadcasted_iota(jnp.int32, (SBLK, NC), 1)
    cid = jnp.min(jnp.where(cl == cm, ciota, NC), axis=1, keepdims=True)
    oh_c = (ciota == cid).astype(jnp.float32)
    logits = jnp.dot(h2, wg_ref[...], preferred_element_type=jnp.float32)
    logits = logits + jnp.dot(oh_c, cb_ref[...],
                              preferred_element_type=jnp.float32)

    eiota = lax.broadcasted_iota(jnp.int32, (SBLK, E), 1)
    m1 = jnp.max(logits, axis=1, keepdims=True)
    i1 = jnp.min(jnp.where(logits == m1, eiota, E), axis=1, keepdims=True)
    l2 = jnp.where(eiota == i1, NEG, logits)
    m2 = jnp.max(l2, axis=1, keepdims=True)
    i2 = jnp.min(jnp.where(l2 == m2, eiota, E), axis=1, keepdims=True)
    e2 = jnp.exp(m2 - m1)
    g1 = 1.0 / (1.0 + e2)
    g2 = e2 / (1.0 + e2)

    oh1 = (eiota == i1).astype(jnp.float32)
    oh2 = (eiota == i2).astype(jnp.float32)
    r_io = lax.broadcasted_iota(jnp.int32, (SBLK, SBLK), 0)
    c_io = lax.broadcasted_iota(jnp.int32, (SBLK, SBLK), 1)
    ltri = (r_io > c_io).astype(jnp.float32)
    pref = jnp.dot(ltri, oh1 + oh2, preferred_element_type=jnp.float32)
    base = carry_ref[...] + pref
    pos1 = jnp.sum(base * oh1, axis=1, keepdims=True)
    pos2 = jnp.sum((base + oh1) * oh2, axis=1, keepdims=True)
    carry_ref[...] = carry_ref[...] + jnp.sum(oh1 + oh2, axis=0,
                                              keepdims=True)

    p1 = pos1.astype(jnp.int32)
    p2 = pos2.astype(jnp.int32)
    k1 = (p1 < CAP).astype(jnp.int32)
    k2 = (p2 < CAP).astype(jnp.int32)
    k1_ref[...] = k1
    k2_ref[...] = k2
    s1_ref[...] = i1 * CAP + jnp.minimum(p1, CAP - 1)
    s2_ref[...] = i2 * CAP + jnp.minimum(p2, CAP - 1)
    c1_ref[...] = k1.astype(jnp.float32) * g1
    c2_ref[...] = k2.astype(jnp.float32) * g2


def _dispatch_body(s1_hbm, s2_hbm, k1_hbm, k2_hbm, h2_hbm, buf_hbm,
                   sl_v, kp_v, idx1_v, idx2_v, rows_v, sem):
    wid = lax.axis_index("s") * _SC_CORES + lax.axis_index("c")
    tpw = S // _NW
    base = wid * tpw
    trash = E * CAP + wid

    for s_hbm, k_hbm, idx_v in ((s1_hbm, k1_hbm, idx1_v),
                                (s2_hbm, k2_hbm, idx2_v)):
        pltpu.sync_copy(s_hbm.at[pl.ds(base, tpw)], sl_v)
        pltpu.sync_copy(k_hbm.at[pl.ds(base, tpw)], kp_v)
        for i in range(tpw // 16):
            sl = sl_v[pl.ds(i * 16, 16)]
            kp = kp_v[pl.ds(i * 16, 16)] > 0
            idx_v[pl.ds(i * 16, 16)] = jnp.where(kp, sl, trash)

    pltpu.sync_copy(h2_hbm.at[pl.ds(base, tpw)], rows_v)
    c1 = pltpu.async_copy(rows_v, buf_hbm.at[idx1_v], sem)
    c2 = pltpu.async_copy(rows_v, buf_hbm.at[idx2_v], sem)
    c1.wait()
    c2.wait()


EPB = 2


def _ffn_kernel(buf_ref, w1_ref, b1_ref, w2_ref, b2_ref, y_ref):
    for j in range(EPB):
        x = buf_ref[pl.ds(j * CAP, CAP), :]
        h = jnp.dot(x, w1_ref[j], preferred_element_type=jnp.float32)
        h = jax.nn.gelu(h + b1_ref[j])
        y = jnp.dot(h, w2_ref[j], preferred_element_type=jnp.float32)
        y_ref[pl.ds(j * CAP, CAP), :] = y + b2_ref[j]


def _combine_body(y_hbm, s1_hbm, s2_hbm, yg1_hbm, yg2_hbm,
                  idx_v, rows_v, sem):
    wid = lax.axis_index("s") * _SC_CORES + lax.axis_index("c")
    tpw = S // _NW
    base = wid * tpw
    pltpu.sync_copy(s1_hbm.at[pl.ds(base, tpw)], idx_v)
    pltpu.async_copy(y_hbm.at[idx_v], rows_v, sem).wait()
    pltpu.sync_copy(rows_v, yg1_hbm.at[pl.ds(base, tpw)])
    pltpu.sync_copy(s2_hbm.at[pl.ds(base, tpw)], idx_v)
    pltpu.async_copy(y_hbm.at[idx_v], rows_v, sem).wait()
    pltpu.sync_copy(rows_v, yg2_hbm.at[pl.ds(base, tpw)])


def _final_kernel(xa_ref, c1_ref, c2_ref, y1_ref, y2_ref, o_ref):
    o_ref[...] = (xa_ref[...] + c1_ref[...] * y1_ref[...]
                  + c2_ref[...] * y2_ref[...])


def kernel(hidden_states, ln1_scale, ln1_bias, Wqkv, bqkv, Wo, bo,
           ln2_scale, ln2_bias, Wg, Wc, cluster_bias, W1, b1, W2, b2):
    f32 = jnp.float32
    x2d = hidden_states.reshape(S, D)
    ls1 = ln1_scale.reshape(1, D)
    lb1 = ln1_bias.reshape(1, D)
    ls2 = ln2_scale.reshape(1, D)
    lb2 = ln2_bias.reshape(1, D)
    bqkv2 = bqkv.reshape(1, 3 * D)
    bo2 = bo.reshape(1, D)

    bf16 = jnp.bfloat16
    hspec = pl.BlockSpec((H, SBLK, DH), lambda i: (0, i, 0))
    q3, k3, v3 = pl.pallas_call(
        _qkv_kernel,
        grid=(NSB,),
        in_specs=[
            pl.BlockSpec((SBLK, D), lambda i: (i, 0)),
            pl.BlockSpec((1, D), lambda i: (0, 0)),
            pl.BlockSpec((1, D), lambda i: (0, 0)),
            pl.BlockSpec((3 * D, D), lambda i: (0, 0)),
            pl.BlockSpec((1, 3 * D), lambda i: (0, 0)),
        ],
        out_specs=[hspec, hspec, hspec],
        out_shape=[
            jax.ShapeDtypeStruct((H, S, DH), bf16),
            jax.ShapeDtypeStruct((H, S, DH), bf16),
            jax.ShapeDtypeStruct((H, S, DH), bf16),
        ],
    )(x2d, ls1, lb1, Wqkv, bqkv2)

    o3 = pl.pallas_call(
        _attn_kernel,
        grid=(H, S // ABLK),
        in_specs=[
            pl.BlockSpec((1, ABLK, DH), lambda h, i: (h, i, 0)),
            pl.BlockSpec((1, S, DH), lambda h, i: (h, 0, 0)),
            pl.BlockSpec((1, S, DH), lambda h, i: (h, 0, 0)),
        ],
        out_specs=pl.BlockSpec((1, ABLK, DH), lambda h, i: (h, i, 0)),
        out_shape=jax.ShapeDtypeStruct((H, S, DH), f32),
    )(q3, k3, v3)

    col = pl.BlockSpec((SBLK, 1), lambda i: (i, 0))
    xa, h2, s1, s2, k1, k2, c1, c2 = pl.pallas_call(
        _router_kernel,
        grid=(NSB,),
        in_specs=[
            pl.BlockSpec((SBLK, D), lambda i: (i, 0)),
            pl.BlockSpec((H, SBLK, DH), lambda i: (0, i, 0)),
            pl.BlockSpec((D, D), lambda i: (0, 0)),
            pl.BlockSpec((1, D), lambda i: (0, 0)),
            pl.BlockSpec((1, D), lambda i: (0, 0)),
            pl.BlockSpec((1, D), lambda i: (0, 0)),
            pl.BlockSpec((D, E), lambda i: (0, 0)),
            pl.BlockSpec((D, NC), lambda i: (0, 0)),
            pl.BlockSpec((NC, E), lambda i: (0, 0)),
        ],
        out_specs=[
            pl.BlockSpec((SBLK, D), lambda i: (i, 0)),
            pl.BlockSpec((SBLK, D), lambda i: (i, 0)),
            col, col, col, col, col, col,
        ],
        out_shape=[
            jax.ShapeDtypeStruct((S, D), f32),
            jax.ShapeDtypeStruct((S, D), f32),
            jax.ShapeDtypeStruct((S, 1), jnp.int32),
            jax.ShapeDtypeStruct((S, 1), jnp.int32),
            jax.ShapeDtypeStruct((S, 1), jnp.int32),
            jax.ShapeDtypeStruct((S, 1), jnp.int32),
            jax.ShapeDtypeStruct((S, 1), f32),
            jax.ShapeDtypeStruct((S, 1), f32),
        ],
        scratch_shapes=[pltpu.VMEM((1, E), f32)],
    )(x2d, o3, Wo, bo2, ls2, lb2, Wg, Wc, cluster_bias)

    s1f = s1.reshape(S)
    s2f = s2.reshape(S)
    k1f = k1.reshape(S)
    k2f = k2.reshape(S)

    mesh = plsc.VectorSubcoreMesh(core_axis_name="c", subcore_axis_name="s")

    slots_per_w = (E * CAP) // _NW
    sc_params = pltpu.CompilerParams(needs_layout_passes=False)
    tpw = S // _NW
    buf = pl.kernel(
        _dispatch_body,
        out_type=jax.ShapeDtypeStruct((E * CAP + 256, D), f32),
        mesh=mesh,
        compiler_params=sc_params,
        scratch_types=[
            pltpu.VMEM((tpw,), jnp.int32),
            pltpu.VMEM((tpw,), jnp.int32),
            pltpu.VMEM((tpw,), jnp.int32),
            pltpu.VMEM((tpw,), jnp.int32),
            pltpu.VMEM((tpw, D), f32),
            pltpu.SemaphoreType.DMA,
        ],
    )(s1f, s2f, k1f, k2f, h2)

    y = pl.pallas_call(
        _ffn_kernel,
        grid=(E // EPB,),
        in_specs=[
            pl.BlockSpec((EPB * CAP, D), lambda e: (e, 0)),
            pl.BlockSpec((EPB, D, F), lambda e: (e, 0, 0)),
            pl.BlockSpec((EPB, 1, F), lambda e: (e, 0, 0)),
            pl.BlockSpec((EPB, F, D), lambda e: (e, 0, 0)),
            pl.BlockSpec((EPB, 1, D), lambda e: (e, 0, 0)),
        ],
        out_specs=pl.BlockSpec((EPB * CAP, D), lambda e: (e, 0)),
        out_shape=jax.ShapeDtypeStruct((E * CAP, D), f32),
    )(buf, W1, b1.reshape(E, 1, F), W2, b2.reshape(E, 1, D))

    tpw = S // _NW
    yg1, yg2 = pl.kernel(
        _combine_body,
        out_type=(
            jax.ShapeDtypeStruct((S, D), f32),
            jax.ShapeDtypeStruct((S, D), f32),
        ),
        mesh=mesh,
        compiler_params=sc_params,
        scratch_types=[
            pltpu.VMEM((tpw,), jnp.int32),
            pltpu.VMEM((tpw, D), f32),
            pltpu.SemaphoreType.DMA,
        ],
    )(y, s1f, s2f)

    out = pl.pallas_call(
        _final_kernel,
        grid=(NSB,),
        in_specs=[
            pl.BlockSpec((SBLK, D), lambda i: (i, 0)),
            col, col,
            pl.BlockSpec((SBLK, D), lambda i: (i, 0)),
            pl.BlockSpec((SBLK, D), lambda i: (i, 0)),
        ],
        out_specs=pl.BlockSpec((SBLK, D), lambda i: (i, 0)),
        out_shape=jax.ShapeDtypeStruct((S, D), f32),
    )(xa, c1, c2, yg1, yg2)

    return out.reshape(B, S, D)

# --- scband reference (transcript-rebuilt; emitter-appended) ---
"""Pipeline reference for scband-camo-eblock-13692355739771 (READ-ONLY COPY).

The authoritative reference and input builder live on the scoring server;
editing this copy changes nothing except your own understanding.
"""

import jax, jax.numpy as jnp
import numpy as np

B, S, D, H, E, K, F, NC = 1, 2048, 768, 12, 64, 2, 768, 8
DH = D // H
CAP = (2 * S * K) // E  # capacity factor 2.0 -> 128 slots per expert
EPS = 1e-5


def _ln(x, s, b):
    m = jnp.mean(x, axis=-1, keepdims=True)
    v = jnp.var(x, axis=-1, keepdims=True)
    return (x - m) / jnp.sqrt(v + EPS) * s + b


def setup_inputs(seed: int = 0):
    key = jax.random.key(seed)
    ks = jax.random.split(key, 12)
    def nrm(k, shape, sc=0.02):
        return jax.random.normal(k, shape, dtype=jnp.float32) * sc
    return {
        "hidden_states": jax.random.normal(ks[0], (B, S, D), dtype=jnp.float32),
        "ln1_scale": jnp.ones((D,), jnp.float32),
        "ln1_bias": jnp.zeros((D,), jnp.float32),
        "Wqkv": nrm(ks[1], (3 * D, D)),
        "bqkv": jnp.zeros((3 * D,), jnp.float32),
        "Wo": nrm(ks[2], (D, D)),
        "bo": jnp.zeros((D,), jnp.float32),
        "ln2_scale": jnp.ones((D,), jnp.float32),
        "ln2_bias": jnp.zeros((D,), jnp.float32),
        "Wg": nrm(ks[3], (D, E)),
        "Wc": nrm(ks[4], (D, NC)),
        "cluster_bias": nrm(ks[5], (NC, E)),
        "W1": nrm(ks[6], (E, D, F)),
        "b1": jnp.zeros((E, F), jnp.float32),
        "W2": nrm(ks[7], (E, F, D)),
        "b2": jnp.zeros((E, D), jnp.float32),
    }


def _attn(x, Wqkv, bqkv, Wo, bo):
    qkv = x @ Wqkv.T + bqkv
    q, k, v = jnp.split(qkv, 3, axis=-1)
    def sp(t):
        return t.reshape(B, S, H, DH).transpose(0, 2, 1, 3)
    q, k, v = sp(q), sp(k), sp(v)
    sc = jnp.einsum('bhqd,bhkd->bhqk', q, k) / np.sqrt(DH).astype(np.float32)
    p = jax.nn.softmax(sc, axis=-1)
    o = jnp.einsum('bhqk,bhkd->bhqd', p, v)
    o = o.transpose(0, 2, 1, 3).reshape(B, S, D)
    return o @ Wo.T + bo


def _moe(x2, Wg, Wc, cluster_bias, W1, b1, W2, b2):
    T = x2.shape[0]
    # cluster-aware routing: hard cluster assignment adds a per-cluster expert bias
    cid = jnp.argmax(x2 @ Wc, axis=-1)
    logits = x2 @ Wg + cluster_bias[cid]
    topv, topi = jax.lax.top_k(logits, K)
    gates = jax.nn.softmax(topv, axis=-1)
    fe = topi.reshape(-1)
    fg = gates.reshape(-1)
    oh = jax.nn.one_hot(fe, E, dtype=jnp.float32)
    pos = ((jnp.cumsum(oh, axis=0) * oh).sum(axis=-1) - 1.0).astype(jnp.int32)
    keep = (pos < CAP).astype(x2.dtype)
    slot = fe * CAP + jnp.minimum(pos, CAP - 1)
    x_rep = jnp.repeat(x2, K, axis=0)
    buf = jnp.zeros((E * CAP, D), x2.dtype).at[slot].add(x_rep * keep[:, None])
    ein = buf.reshape(E, CAP, D)
    h = jax.nn.gelu(jnp.einsum('ecd,edf->ecf', ein, W1) + b1[:, None, :])
    y = (jnp.einsum('ecf,efd->ecd', h, W2) + b2[:, None, :]).reshape(E * CAP, D)
    comb = y[slot] * (keep * fg)[:, None]
    return comb.reshape(T, K, D).sum(axis=1)


def reference(hidden_states, ln1_scale, ln1_bias, Wqkv, bqkv, Wo, bo, ln2_scale, ln2_bias, Wg, Wc, cluster_bias, W1, b1, W2, b2):
    x = hidden_states
    h = _ln(x, ln1_scale, ln1_bias)
    x = x + _attn(h, Wqkv, bqkv, Wo, bo)
    h2 = _ln(x, ln2_scale, ln2_bias)
    m = _moe(h2.reshape(B * S, D), Wg, Wc, cluster_bias, W1, b1, W2, b2)
    return x + m.reshape(B, S, D)

if __name__ == "__main__":
    import jax
    _d = setup_inputs()
    print(jax.jit(kernel)(*tuple(_d.values())))

</pallas_src>

<mosaic_0001>
#map = affine_map<(d0, d1) -> (0, 0)>
#map1 = affine_map<(d0, d1) -> (0)>
module attributes {stable_mosaic.version = 14 : i64} {
  func.func @_combine_body(%arg0: i32, %arg1: i32, %arg2: memref<8192x768xf32, #tpu.memory_space<hbm>>, %arg3: memref<2048xi32, #tpu.memory_space<hbm>>, %arg4: memref<2048xi32, #tpu.memory_space<hbm>>, %arg5: memref<2048x768xf32, #tpu.memory_space<hbm>>, %arg6: memref<2048x768xf32, #tpu.memory_space<hbm>>, %arg7: memref<64xi32, #tpu.memory_space<vmem>>, %arg8: memref<64x768xf32, #tpu.memory_space<vmem>>, %arg9: memref<!tpu.dma_semaphore, #tpu.memory_space<semaphore_mem>>) attributes {dimension_semantics = [#tpu.dimension_semantics<core_parallel>, #tpu.dimension_semantics<subcore_parallel>], iteration_bounds = array<i64: 2, 16>, scalar_prefetch = 0 : i64, scratch_operands = 3 : i64, tpu.core_type = #tpu.core_type<sc_vector_subcore>, window_params = [{transform_indices = #map}, {transform_indices = #map1}, {transform_indices = #map1}, {transform_indices = #map}, {transform_indices = #map}]} {
    %mul3A = arith.constant 2 : i32
    %mul3A_0 = arith.muli %arg1, %mul3A : i32
    %add3A = arith.addi %mul3A_0, %arg0 : i32
    %mul3A_1 = arith.constant 64 : i32
    %mul3A_2 = arith.muli %add3A, %mul3A_1 : i32
    "tpu.region"() ({
      %run_scoped3A = tpu.sem_alloc : memref<!tpu.dma_semaphore, #tpu.memory_space<semaphore_mem>>
      %dma_start3A_13 = tpu.memref_slice %arg3[%mul3A_2] : memref<2048xi32, #tpu.memory_space<hbm>> -> memref<64xi32, #tpu.memory_space<hbm>>
      %dma_start3A_14 = tpu.memref_slice %arg3[%mul3A_2] : memref<2048xi32, #tpu.memory_space<hbm>> -> memref<64xi32, #tpu.memory_space<hbm>>
      tpu.enqueue_dma source(%dma_start3A_14 : memref<64xi32, #tpu.memory_space<hbm>>) target(%arg7 : memref<64xi32, #tpu.memory_space<vmem>>) target_semaphore(%run_scoped3A : memref<!tpu.dma_semaphore, #tpu.memory_space<semaphore_mem>>)
      %dma_wait3A_15 = tpu.memref_slice %arg3[%mul3A_2] : memref<2048xi32, #tpu.memory_space<hbm>> -> memref<64xi32, #tpu.memory_space<hbm>>
      %dma_wait3A_16 = tpu.memref_slice %arg3[%mul3A_2] : memref<2048xi32, #tpu.memory_space<hbm>> -> memref<64xi32, #tpu.memory_space<hbm>>
      tpu.wait_dma2 semaphore(%run_scoped3A : memref<!tpu.dma_semaphore, #tpu.memory_space<semaphore_mem>>) src(%dma_wait3A_16 : memref<64xi32, #tpu.memory_space<hbm>>) dst(%arg7 : memref<64xi32, #tpu.memory_space<vmem>>)
      tpu.yield
    }) : () -> ()
    %dma_start3A = arith.constant 0 : i32
    %dma_start3A_3 = arith.constant 0 : i32
    %dma_start3A_4 = tpu.memref_slice %arg2[%dma_start3A, %dma_start3A_3] : memref<8192x768xf32, #tpu.memory_space<hbm>> -> memref<8192x768xf32, #tpu.memory_space<hbm>>
    tpu.enqueue_indirect_dma source(%dma_start3A_4 : memref<8192x768xf32, #tpu.memory_space<hbm>>) target(%arg8 : memref<64x768xf32, #tpu.memory_space<vmem>>) offsets(%arg7 : memref<64xi32, #tpu.memory_space<vmem>>) semaphore(%arg9 : memref<!tpu.dma_semaphore, #tpu.memory_space<semaphore_mem>>)
    %dma_wait3A = arith.constant 0 : i32
    %dma_wait3A_5 = arith.constant 0 : i32
    %dma_wait3A_6 = tpu.memref_slice %arg2[%dma_wait3A, %dma_wait3A_5] : memref<8192x768xf32, #tpu.memory_space<hbm>> -> memref<8192x768xf32, #tpu.memory_space<hbm>>
    tpu.wait_indirect_dma semaphore(%arg9 : memref<!tpu.dma_semaphore, #tpu.memory_space<semaphore_mem>>) src(%dma_wait3A_6 : memref<8192x768xf32, #tpu.memory_space<hbm>>) dst(%arg8 : memref<64x768xf32, #tpu.memory_space<vmem>>)
    "tpu.region"() ({
      %run_scoped3A = tpu.sem_alloc : memref<!tpu.dma_semaphore, #tpu.memory_space<semaphore_mem>>
      %dma_start3A_13 = arith.constant 0 : i32
      %dma_start3A_14 = tpu.memref_slice %arg5[%mul3A_2, %dma_start3A_13] : memref<2048x768xf32, #tpu.memory_space<hbm>> -> memref<64x768xf32, #tpu.memory_space<hbm>>
      %dma_start3A_15 = arith.constant 0 : i32
      %dma_start3A_16 = tpu.memref_slice %arg5[%mul3A_2, %dma_start3A_15] : memref<2048x768xf32, #tpu.memory_space<hbm>> -> memref<64x768xf32, #tpu.memory_space<hbm>>
      tpu.enqueue_dma source(%arg8 : memref<64x768xf32, #tpu.memory_space<vmem>>) target(%dma_start3A_16 : memref<64x768xf32, #tpu.memory_space<hbm>>) target_semaphore(%run_scoped3A : memref<!tpu.dma_semaphore, #tpu.memory_space<semaphore_mem>>)
      %dma_wait3A_17 = arith.constant 0 : i32
      %dma_wait3A_18 = tpu.memref_slice %arg5[%mul3A_2, %dma_wait3A_17] : memref<2048x768xf32, #tpu.memory_space<hbm>> -> memref<64x768xf32, #tpu.memory_space<hbm>>
      %dma_wait3A_19 = arith.constant 0 : i32
      %dma_wait3A_20 = tpu.memref_slice %arg5[%mul3A_2, %dma_wait3A_19] : memref<2048x768xf32, #tpu.memory_space<hbm>> -> memref<64x768xf32, #tpu.memory_space<hbm>>
      tpu.wait_dma2 semaphore(%run_scoped3A : memref<!tpu.dma_semaphore, #tpu.memory_space<semaphore_mem>>) src(%arg8 : memref<64x768xf32, #tpu.memory_space<vmem>>) dst(%dma_wait3A_20 : memref<64x768xf32, #tpu.memory_space<hbm>>)
      tpu.yield
    }) : () -> ()
    "tpu.region"() ({
      %run_scoped3A = tpu.sem_alloc : memref<!tpu.dma_semaphore, #tpu.memory_space<semaphore_mem>>
      %dma_start3A_13 = tpu.memref_slice %arg4[%mul3A_2] : memref<2048xi32, #tpu.memory_space<hbm>> -> memref<64xi32, #tpu.memory_space<hbm>>
      %dma_start3A_14 = tpu.memref_slice %arg4[%mul3A_2] : memref<2048xi32, #tpu.memory_space<hbm>> -> memref<64xi32, #tpu.memory_space<hbm>>
      tpu.enqueue_dma source(%dma_start3A_14 : memref<64xi32, #tpu.memory_space<hbm>>) target(%arg7 : memref<64xi32, #tpu.memory_space<vmem>>) target_semaphore(%run_scoped3A : memref<!tpu.dma_semaphore, #tpu.memory_space<semaphore_mem>>)
      %dma_wait3A_15 = tpu.memref_slice %arg4[%mul3A_2] : memref<2048xi32, #tpu.memory_space<hbm>> -> memref<64xi32, #tpu.memory_space<hbm>>
      %dma_wait3A_16 = tpu.memref_slice %arg4[%mul3A_2] : memref<2048xi32, #tpu.memory_space<hbm>> -> memref<64xi32, #tpu.memory_space<hbm>>
      tpu.wait_dma2 semaphore(%run_scoped3A : memref<!tpu.dma_semaphore, #tpu.memory_space<semaphore_mem>>) src(%dma_wait3A_16 : memref<64xi32, #tpu.memory_space<hbm>>) dst(%arg7 : memref<64xi32, #tpu.memory_space<vmem>>)
      tpu.yield
    }) : () -> ()
    %dma_start3A_7 = arith.constant 0 : i32
    %dma_start3A_8 = arith.constant 0 : i32
    %dma_start3A_9 = tpu.memref_slice %arg2[%dma_start3A_7, %dma_start3A_8] : memref<8192x768xf32, #tpu.memory_space<hbm>> -> memref<8192x768xf32, #tpu.memory_space<hbm>>
    tpu.enqueue_indirect_dma source(%dma_start3A_9 : memref<8192x768xf32, #tpu.memory_space<hbm>>) target(%arg8 : memref<64x768xf32, #tpu.memory_space<vmem>>) offsets(%arg7 : memref<64xi32, #tpu.memory_space<vmem>>) semaphore(%arg9 : memref<!tpu.dma_semaphore, #tpu.memory_space<semaphore_mem>>)
    %dma_wait3A_10 = arith.constant 0 : i32
    %dma_wait3A_11 = arith.constant 0 : i32
    %dma_wait3A_12 = tpu.memref_slice %arg2[%dma_wait3A_10, %dma_wait3A_11] : memref<8192x768xf32, #tpu.memory_space<hbm>> -> memref<8192x768xf32, #tpu.memory_space<hbm>>
    tpu.wait_indirect_dma semaphore(%arg9 : memref<!tpu.dma_semaphore, #tpu.memory_space<semaphore_mem>>) src(%dma_wait3A_12 : memref<8192x768xf32, #tpu.memory_space<hbm>>) dst(%arg8 : memref<64x768xf32, #tpu.memory_space<vmem>>)
    "tpu.region"() ({
      %run_scoped3A = tpu.sem_alloc : memref<!tpu.dma_semaphore, #tpu.memory_space<semaphore_mem>>
      %dma_start3A_13 = arith.constant 0 : i32
      %dma_start3A_14 = tpu.memref_slice %arg6[%mul3A_2, %dma_start3A_13] : memref<2048x768xf32, #tpu.memory_space<hbm>> -> memref<64x768xf32, #tpu.memory_space<hbm>>
      %dma_start3A_15 = arith.constant 0 : i32
      %dma_start3A_16 = tpu.memref_slice %arg6[%mul3A_2, %dma_start3A_15] : memref<2048x768xf32, #tpu.memory_space<hbm>> -> memref<64x768xf32, #tpu.memory_space<hbm>>
      tpu.enqueue_dma source(%arg8 : memref<64x768xf32, #tpu.memory_space<vmem>>) target(%dma_start3A_16 : memref<64x768xf32, #tpu.memory_space<hbm>>) target_semaphore(%run_scoped3A : memref<!tpu.dma_semaphore, #tpu.memory_space<semaphore_mem>>)
      %dma_wait3A_17 = arith.constant 0 : i32
      %dma_wait3A_18 = tpu.memref_slice %arg6[%mul3A_2, %dma_wait3A_17] : memref<2048x768xf32, #tpu.memory_space<hbm>> -> memref<64x768xf32, #tpu.memory_space<hbm>>
      %dma_wait3A_19 = arith.constant 0 : i32
      %dma_wait3A_20 = tpu.memref_slice %arg6[%mul3A_2, %dma_wait3A_19] : memref<2048x768xf32, #tpu.memory_space<hbm>> -> memref<64x768xf32, #tpu.memory_space<hbm>>
      tpu.wait_dma2 semaphore(%run_scoped3A : memref<!tpu.dma_semaphore, #tpu.memory_space<semaphore_mem>>) src(%arg8 : memref<64x768xf32, #tpu.memory_space<vmem>>) dst(%dma_wait3A_20 : memref<64x768xf32, #tpu.memory_space<hbm>>)
      tpu.yield
    }) : () -> ()
    return
  }
}

#map = affine_map<(d0, d1) -> (0)>
#map1 = affine_map<(d0, d1) -> (0, 0)>
module attributes {stable_mosaic.version = 14 : i64} {
  func.func @_dispatch_body(%arg0: i32, %arg1: i32, %arg2: memref<2048xi32, #tpu.memory_space<hbm>>, %arg3: memref<2048xi32, #tpu.memory_space<hbm>>, %arg4: memref<2048xi32, #tpu.memory_space<hbm>>, %arg5: memref<2048xi32, #tpu.memory_space<hbm>>, %arg6: memref<2048x768xf32, #tpu.memory_space<hbm>>, %arg7: memref<8448x768xf32, #tpu.memory_space<hbm>>, %arg8: memref<64xi32, #tpu.memory_space<vmem>>, %arg9: memref<64xi32, #tpu.memory_space<vmem>>, %arg10: memref<64xi32, #tpu.memory_space<vmem>>, %arg11: memref<64xi32, #tpu.memory_space<vmem>>, %arg12: memref<64x768xf32, #tpu.memory_space<vmem>>, %arg13: memref<!tpu.dma_semaphore, #tpu.memory_space<semaphore_mem>>) attributes {dimension_semantics = [#tpu.dimension_semantics<core_parallel>, #tpu.dimension_semantics<subcore_parallel>], iteration_bounds = array<i64: 2, 16>, scalar_prefetch = 0 : i64, scratch_operands = 6 : i64, tpu.core_type = #tpu.core_type<sc_vector_subcore>, window_params = [{transform_indices = #map}, {transform_indices = #map}, {transform_indices = #map}, {transform_indices = #map}, {transform_indices = #map1}, {transform_indices = #map1}]} {
    %mul3A = arith.constant 2 : i32
    %mul3A_0 = arith.muli %arg1, %mul3A : i32
    %add3A = arith.addi %mul3A_0, %arg0 : i32
    %mul3A_1 = arith.constant 64 : i32
    %mul3A_2 = arith.muli %add3A, %mul3A_1 : i32
    %add3A_3 = arith.constant 8192 : i32
    %add3A_4 = arith.addi %add3A_3, %add3A : i32
    "tpu.region"() ({
      %run_scoped3A = tpu.sem_alloc : memref<!tpu.dma_semaphore, #tpu.memory_space<semaphore_mem>>
      %dma_start3A_98 = tpu.memref_slice %arg2[%mul3A_2] : memref<2048xi32, #tpu.memory_space<hbm>> -> memref<64xi32, #tpu.memory_space<hbm>>
      %dma_start3A_99 = tpu.memref_slice %arg2[%mul3A_2] : memref<2048xi32, #tpu.memory_space<hbm>> -> memref<64xi32, #tpu.memory_space<hbm>>
      tpu.enqueue_dma source(%dma_start3A_99 : memref<64xi32, #tpu.memory_space<hbm>>) target(%arg8 : memref<64xi32, #tpu.memory_space<vmem>>) target_semaphore(%run_scoped3A : memref<!tpu.dma_semaphore, #tpu.memory_space<semaphore_mem>>)
      %dma_wait3A_100 = tpu.memref_slice %arg2[%mul3A_2] : memref<2048xi32, #tpu.memory_space<hbm>> -> memref<64xi32, #tpu.memory_space<hbm>>
      %dma_wait3A_101 = tpu.memref_slice %arg2[%mul3A_2] : memref<2048xi32, #tpu.memory_space<hbm>> -> memref<64xi32, #tpu.memory_space<hbm>>
      tpu.wait_dma2 semaphore(%run_scoped3A : memref<!tpu.dma_semaphore, #tpu.memory_space<semaphore_mem>>) src(%dma_wait3A_101 : memref<64xi32, #tpu.memory_space<hbm>>) dst(%arg8 : memref<64xi32, #tpu.memory_space<vmem>>)
      tpu.yield
    }) : () -> ()
    "tpu.region"() ({
      %run_scoped3A = tpu.sem_alloc : memref<!tpu.dma_semaphore, #tpu.memory_space<semaphore_mem>>
      %dma_start3A_98 = tpu.memref_slice %arg4[%mul3A_2] : memref<2048xi32, #tpu.memory_space<hbm>> -> memref<64xi32, #tpu.memory_space<hbm>>
      %dma_start3A_99 = tpu.memref_slice %arg4[%mul3A_2] : memref<2048xi32, #tpu.memory_space<hbm>> -> memref<64xi32, #tpu.memory_space<hbm>>
      tpu.enqueue_dma source(%dma_start3A_99 : memref<64xi32, #tpu.memory_space<hbm>>) target(%arg9 : memref<64xi32, #tpu.memory_space<vmem>>) target_semaphore(%run_scoped3A : memref<!tpu.dma_semaphore, #tpu.memory_space<semaphore_mem>>)
      %dma_wait3A_100 = tpu.memref_slice %arg4[%mul3A_2] : memref<2048xi32, #tpu.memory_space<hbm>> -> memref<64xi32, #tpu.memory_space<hbm>>
      %dma_wait3A_101 = tpu.memref_slice %arg4[%mul3A_2] : memref<2048xi32, #tpu.memory_space<hbm>> -> memref<64xi32, #tpu.memory_space<hbm>>
      tpu.wait_dma2 semaphore(%run_scoped3A : memref<!tpu.dma_semaphore, #tpu.memory_space<semaphore_mem>>) src(%dma_wait3A_101 : memref<64xi32, #tpu.memory_space<hbm>>) dst(%arg9 : memref<64xi32, #tpu.memory_space<vmem>>)
      tpu.yield
    }) : () -> ()
    %get3A = arith.constant 0 : index
    %get3A_5 = tpu.vector_load %arg8[%get3A] {strides = array<i32>} : memref<64xi32, #tpu.memory_space<vmem>>, vector<16xi32>,
    %get3A_6 = arith.constant 0 : index
    %get3A_7 = tpu.vector_load %arg9[%get3A_6] {strides = array<i32>} : memref<64xi32, #tpu.memory_space<vmem>>, vector<16xi32>,
    %gt3A = arith.constant 0 : i32
    %gt3A_8 = vector.broadcast %gt3A : i32 to vector<16xi32>
    %gt3A_9 = arith.cmpi sgt, %get3A_7, %gt3A_8 : vector<16xi32>
    %broadcast_in_dim3A = vector.broadcast %add3A_4 : i32 to vector<16xi32>
    %select_n3A = arith.select %gt3A_9, %get3A_5, %broadcast_in_dim3A : vector<16xi1>, vector<16xi32>
    %swap3A = arith.constant 0 : index
    %swap3A_10 = tpu.vector_load %arg10[%swap3A] {strides = array<i32>} : memref<64xi32, #tpu.memory_space<vmem>>, vector<16xi32>,
    tpu.vector_store %arg10[%swap3A], %select_n3A {strides = array<i32>} : memref<64xi32, #tpu.memory_space<vmem>>, vector<16xi32>,
    %get3A_11 = arith.constant 16 : index
    %get3A_12 = tpu.vector_load %arg8[%get3A_11] {strides = array<i32>} : memref<64xi32, #tpu.memory_space<vmem>>, vector<16xi32>,
    %get3A_13 = arith.constant 16 : index
    %get3A_14 = tpu.vector_load %arg9[%get3A_13] {strides = array<i32>} : memref<64xi32, #tpu.memory_space<vmem>>, vector<16xi32>,
    %gt3A_15 = arith.constant 0 : i32
    %gt3A_16 = vector.broadcast %gt3A_15 : i32 to vector<16xi32>
    %gt3A_17 = arith.cmpi sgt, %get3A_14, %gt3A_16 : vector<16xi32>
    %broadcast_in_dim3A_18 = vector.broadcast %add3A_4 : i32 to vector<16xi32>
    %select_n3A_19 = arith.select %gt3A_17, %get3A_12, %broadcast_in_dim3A_18 : vector<16xi1>, vector<16xi32>
    %swap3A_20 = arith.constant 16 : index
    %swap3A_21 = tpu.vector_load %arg10[%swap3A_20] {strides = array<i32>} : memref<64xi32, #tpu.memory_space<vmem>>, vector<16xi32>,
    tpu.vector_store %arg10[%swap3A_20], %select_n3A_19 {strides = array<i32>} : memref<64xi32, #tpu.memory_space<vmem>>, vector<16xi32>,
    %get3A_22 = arith.constant 32 : index
    %get3A_23 = tpu.vector_load %arg8[%get3A_22] {strides = array<i32>} : memref<64xi32, #tpu.memory_space<vmem>>, vector<16xi32>,
    %get3A_24 = arith.constant 32 : index
    %get3A_25 = tpu.vector_load %arg9[%get3A_24] {strides = array<i32>} : memref<64xi32, #tpu.memory_space<vmem>>, vector<16xi32>,
    %gt3A_26 = arith.constant 0 : i32
    %gt3A_27 = vector.broadcast %gt3A_26 : i32 to vector<16xi32>
    %gt3A_28 = arith.cmpi sgt, %get3A_25, %gt3A_27 : vector<16xi32>
    %broadcast_in_dim3A_29 = vector.broadcast %add3A_4 : i32 to vector<16xi32>
    %select_n3A_30 = arith.select %gt3A_28, %get3A_23, %broadcast_in_dim3A_29 : vector<16xi1>, vector<16xi32>
    %swap3A_31 = arith.constant 32 : index
    %swap3A_32 = tpu.vector_load %arg10[%swap3A_31] {strides = array<i32>} : memref<64xi32, #tpu.memory_space<vmem>>, vector<16xi32>,
    tpu.vector_store %arg10[%swap3A_31], %select_n3A_30 {strides = array<i32>} : memref<64xi32, #tpu.memory_space<vmem>>, vector<16xi32>,
    %get3A_33 = arith.constant 48 : index
    %get3A_34 = tpu.vector_load %arg8[%get3A_33] {strides = array<i32>} : memref<64xi32, #tpu.memory_space<vmem>>, vector<16xi32>,
    %get3A_35 = arith.constant 48 : index
    %get3A_36 = tpu.vector_load %arg9[%get3A_35] {strides = array<i32>} : memref<64xi32, #tpu.memory_space<vmem>>, vector<16xi32>,
    %gt3A_37 = arith.constant 0 : i32
    %gt3A_38 = vector.broadcast %gt3A_37 : i32 to vector<16xi32>
    %gt3A_39 = arith.cmpi sgt, %get3A_36, %gt3A_38 : vector<16xi32>
    %broadcast_in_dim3A_40 = vector.broadcast %add3A_4 : i32 to vector<16xi32>
    %select_n3A_41 = arith.select %gt3A_39, %get3A_34, %broadcast_in_dim3A_40 : vector<16xi1>, vector<16xi32>
    %swap3A_42 = arith.constant 48 : index
    %swap3A_43 = tpu.vector_load %arg10[%swap3A_42] {strides = array<i32>} : memref<64xi32, #tpu.memory_space<vmem>>, vector<16xi32>,
    tpu.vector_store %arg10[%swap3A_42], %select_n3A_41 {strides = array<i32>} : memref<64xi32, #tpu.memory_space<vmem>>, vector<16xi32>,
    "tpu.region"() ({
      %run_scoped3A = tpu.sem_alloc : memref<!tpu.dma_semaphore, #tpu.memory_space<semaphore_mem>>
      %dma_start3A_98 = tpu.memref_slice %arg3[%mul3A_2] : memref<2048xi32, #tpu.memory_space<hbm>> -> memref<64xi32, #tpu.memory_space<hbm>>
      %dma_start3A_99 = tpu.memref_slice %arg3[%mul3A_2] : memref<2048xi32, #tpu.memory_space<hbm>> -> memref<64xi32, #tpu.memory_space<hbm>>
      tpu.enqueue_dma source(%dma_start3A_99 : memref<64xi32, #tpu.memory_space<hbm>>) target(%arg8 : memref<64xi32, #tpu.memory_space<vmem>>) target_semaphore(%run_scoped3A : memref<!tpu.dma_semaphore, #tpu.memory_space<semaphore_mem>>)
      %dma_wait3A_100 = tpu.memref_slice %arg3[%mul3A_2] : memref<2048xi32, #tpu.memory_space<hbm>> -> memref<64xi32, #tpu.memory_space<hbm>>
      %dma_wait3A_101 = tpu.memref_slice %arg3[%mul3A_2] : memref<2048xi32, #tpu.memory_space<hbm>> -> memref<64xi32, #tpu.memory_space<hbm>>
      tpu.wait_dma2 semaphore(%run_scoped3A : memref<!tpu.dma_semaphore, #tpu.memory_space<semaphore_mem>>) src(%dma_wait3A_101 : memref<64xi32, #tpu.memory_space<hbm>>) dst(%arg8 : memref<64xi32, #tpu.memory_space<vmem>>)
      tpu.yield
    }) : () -> ()
    "tpu.region"() ({
      %run_scoped3A = tpu.sem_alloc : memref<!tpu.dma_semaphore, #tpu.memory_space<semaphore_mem>>
      %dma_start3A_98 = tpu.memref_slice %arg5[%mul3A_2] : memref<2048xi32, #tpu.memory_space<hbm>> -> memref<64xi32, #tpu.memory_space<hbm>>
      %dma_start3A_99 = tpu.memref_slice %arg5[%mul3A_2] : memref<2048xi32, #tpu.memory_space<hbm>> -> memref<64xi32, #tpu.memory_space<hbm>>
      tpu.enqueue_dma source(%dma_start3A_99 : memref<64xi32, #tpu.memory_space<hbm>>) target(%arg9 : memref<64xi32, #tpu.memory_space<vmem>>) target_semaphore(%run_scoped3A : memref<!tpu.dma_semaphore, #tpu.memory_space<semaphore_mem>>)
      %dma_wait3A_100 = tpu.memref_slice %arg5[%mul3A_2] : memref<2048xi32, #tpu.memory_space<hbm>> -> memref<64xi32, #tpu.memory_space<hbm>>
      %dma_wait3A_101 = tpu.memref_slice %arg5[%mul3A_2] : memref<2048xi32, #tpu.memory_space<hbm>> -> memref<64xi32, #tpu.memory_space<hbm>>
      tpu.wait_dma2 semaphore(%run_scoped3A : memref<!tpu.dma_semaphore, #tpu.memory_space<semaphore_mem>>) src(%dma_wait3A_101 : memref<64xi32, #tpu.memory_space<hbm>>) dst(%arg9 : memref<64xi32, #tpu.memory_space<vmem>>)
      tpu.yield
    }) : () -> ()
    %get3A_44 = arith.constant 0 : index
    %get3A_45 = tpu.vector_load %arg8[%get3A_44] {strides = array<i32>} : memref<64xi32, #tpu.memory_space<vmem>>, vector<16xi32>,
    %get3A_46 = arith.constant 0 : index
    %get3A_47 = tpu.vector_load %arg9[%get3A_46] {strides = array<i32>} : memref<64xi32, #tpu.memory_space<vmem>>, vector<16xi32>,
    %gt3A_48 = arith.constant 0 : i32
    %gt3A_49 = vector.broadcast %gt3A_48 : i32 to vector<16xi32>
    %gt3A_50 = arith.cmpi sgt, %get3A_47, %gt3A_49 : vector<16xi32>
    %broadcast_in_dim3A_51 = vector.broadcast %add3A_4 : i32 to vector<16xi32>
    %select_n3A_52 = arith.select %gt3A_50, %get3A_45, %broadcast_in_dim3A_51 : vector<16xi1>, vector<16xi32>
    %swap3A_53 = arith.constant 0 : index
    %swap3A_54 = tpu.vector_load %arg11[%swap3A_53] {strides = array<i32>} : memref<64xi32, #tpu.memory_space<vmem>>, vector<16xi32>,
    tpu.vector_store %arg11[%swap3A_53], %select_n3A_52 {strides = array<i32>} : memref<64xi32, #tpu.memory_space<vmem>>, vector<16xi32>,
    %get3A_55 = arith.constant 16 : index
    %get3A_56 = tpu.vector_load %arg8[%get3A_55] {strides = array<i32>} : memref<64xi32, #tpu.memory_space<vmem>>, vector<16xi32>,
    %get3A_57 = arith.constant 16 : index
    %get3A_58 = tpu.vector_load %arg9[%get3A_57] {strides = array<i32>} : memref<64xi32, #tpu.memory_space<vmem>>, vector<16xi32>,
    %gt3A_59 = arith.constant 0 : i32
    %gt3A_60 = vector.broadcast %gt3A_59 : i32 to vector<16xi32>
    %gt3A_61 = arith.cmpi sgt, %get3A_58, %gt3A_60 : vector<16xi32>
    %broadcast_in_dim3A_62 = vector.broadcast %add3A_4 : i32 to vector<16xi32>
    %select_n3A_63 = arith.select %gt3A_61, %get3A_56, %broadcast_in_dim3A_62 : vector<16xi1>, vector<16xi32>
    %swap3A_64 = arith.constant 16 : index
    %swap3A_65 = tpu.vector_load %arg11[%swap3A_64] {strides = array<i32>} : memref<64xi32, #tpu.memory_space<vmem>>, vector<16xi32>,
    tpu.vector_store %arg11[%swap3A_64], %select_n3A_63 {strides = array<i32>} : memref<64xi32, #tpu.memory_space<vmem>>, vector<16xi32>,
    %get3A_66 = arith.constant 32 : index
    %get3A_67 = tpu.vector_load %arg8[%get3A_66] {strides = array<i32>} : memref<64xi32, #tpu.memory_space<vmem>>, vector<16xi32>,
    %get3A_68 = arith.constant 32 : index
    %get3A_69 = tpu.vector_load %arg9[%get3A_68] {strides = array<i32>} : memref<64xi32, #tpu.memory_space<vmem>>, vector<16xi32>,
    %gt3A_70 = arith.constant 0 : i32
    %gt3A_71 = vector.broadcast %gt3A_70 : i32 to vector<16xi32>
    %gt3A_72 = arith.cmpi sgt, %get3A_69, %gt3A_71 : vector<16xi32>
    %broadcast_in_dim3A_73 = vector.broadcast %add3A_4 : i32 to vector<16xi32>
    %select_n3A_74 = arith.select %gt3A_72, %get3A_67, %broadcast_in_dim3A_73 : vector<16xi1>, vector<16xi32>
    %swap3A_75 = arith.constant 32 : index
    %swap3A_76 = tpu.vector_load %arg11[%swap3A_75] {strides = array<i32>} : memref<64xi32, #tpu.memory_space<vmem>>, vector<16xi32>,
    tpu.vector_store %arg11[%swap3A_75], %select_n3A_74 {strides = array<i32>} : memref<64xi32, #tpu.memory_space<vmem>>, vector<16xi32>,
    %get3A_77 = arith.constant 48 : index
    %get3A_78 = tpu.vector_load %arg8[%get3A_77] {strides = array<i32>} : memref<64xi32, #tpu.memory_space<vmem>>, vector<16xi32>,
    %get3A_79 = arith.constant 48 : index
    %get3A_80 = tpu.vector_load %arg9[%get3A_79] {strides = array<i32>} : memref<64xi32, #tpu.memory_space<vmem>>, vector<16xi32>,
    %gt3A_81 = arith.constant 0 : i32
    %gt3A_82 = vector.broadcast %gt3A_81 : i32 to vector<16xi32>
    %gt3A_83 = arith.cmpi sgt, %get3A_80, %gt3A_82 : vector<16xi32>
    %broadcast_in_dim3A_84 = vector.broadcast %add3A_4 : i32 to vector<16xi32>
    %select_n3A_85 = arith.select %gt3A_83, %get3A_78, %broadcast_in_dim3A_84 : vector<16xi1>, vector<16xi32>
    %swap3A_86 = arith.constant 48 : index
    %swap3A_87 = tpu.vector_load %arg11[%swap3A_86] {strides = array<i32>} : memref<64xi32, #tpu.memory_space<vmem>>, vector<16xi32>,
    tpu.vector_store %arg11[%swap3A_86], %select_n3A_85 {strides = array<i32>} : memref<64xi32, #tpu.memory_space<vmem>>, vector<16xi32>,
    "tpu.region"() ({
      %run_scoped3A = tpu.sem_alloc : memref<!tpu.dma_semaphore, #tpu.memory_space<semaphore_mem>>
      %dma_start3A_98 = arith.constant 0 : i32
      %dma_start3A_99 = tpu.memref_slice %arg6[%mul3A_2, %dma_start3A_98] : memref<2048x768xf32, #tpu.memory_space<hbm>> -> memref<64x768xf32, #tpu.memory_space<hbm>>
      %dma_start3A_100 = arith.constant 0 : i32
      %dma_start3A_101 = tpu.memref_slice %arg6[%mul3A_2, %dma_start3A_100] : memref<2048x768xf32, #tpu.memory_space<hbm>> -> memref<64x768xf32, #tpu.memory_space<hbm>>
      tpu.enqueue_dma source(%dma_start3A_101 : memref<64x768xf32, #tpu.memory_space<hbm>>) target(%arg12 : memref<64x768xf32, #tpu.memory_space<vmem>>) target_semaphore(%run_scoped3A : memref<!tpu.dma_semaphore, #tpu.memory_space<semaphore_mem>>)
      %dma_wait3A_102 = arith.constant 0 : i32
      %dma_wait3A_103 = tpu.memref_slice %arg6[%mul3A_2, %dma_wait3A_102] : memref<2048x768xf32, #tpu.memory_space<hbm>> -> memref<64x768xf32, #tpu.memory_space<hbm>>
      %dma_wait3A_104 = arith.constant 0 : i32
      %dma_wait3A_105 = tpu.memref_slice %arg6[%mul3A_2, %dma_wait3A_104] : memref<2048x768xf32, #tpu.memory_space<hbm>> -> memref<64x768xf32, #tpu.memory_space<hbm>>
      tpu.wait_dma2 semaphore(%run_scoped3A : memref<!tpu.dma_semaphore, #tpu.memory_space<semaphore_mem>>) src(%dma_wait3A_105 : memref<64x768xf32, #tpu.memory_space<hbm>>) dst(%arg12 : memref<64x768xf32, #tpu.memory_space<vmem>>)
      tpu.yield
    }) : () -> ()
    %dma_start3A = arith.constant 0 : i32
    %dma_start3A_88 = arith.constant 0 : i32
    %dma_start3A_89 = tpu.memref_slice %arg7[%dma_start3A, %dma_start3A_88] : memref<8448x768xf32, #tpu.memory_space<hbm>> -> memref<8448x768xf32, #tpu.memory_space<hbm>>
    tpu.enqueue_indirect_dma source(%arg12 : memref<64x768xf32, #tpu.memory_space<vmem>>) target(%dma_start3A_89 : memref<8448x768xf32, #tpu.memory_space<hbm>>) offsets(%arg10 : memref<64xi32, #tpu.memory_space<vmem>>) semaphore(%arg13 : memref<!tpu.dma_semaphore, #tpu.memory_space<semaphore_mem>>)
    %dma_start3A_90 = arith.constant 0 : i32
    %dma_start3A_91 = arith.constant 0 : i32
    %dma_start3A_92 = tpu.memref_slice %arg7[%dma_start3A_90, %dma_start3A_91] : memref<8448x768xf32, #tpu.memory_space<hbm>> -> memref<8448x768xf32, #tpu.memory_space<hbm>>
    tpu.enqueue_indirect_dma source(%arg12 : memref<64x768xf32, #tpu.memory_space<vmem>>) target(%dma_start3A_92 : memref<8448x768xf32, #tpu.memory_space<hbm>>) offsets(%arg11 : memref<64xi32, #tpu.memory_space<vmem>>) semaphore(%arg13 : memref<!tpu.dma_semaphore, #tpu.memory_space<semaphore_mem>>)
    %dma_wait3A = arith.constant 0 : i32
    %dma_wait3A_93 = arith.constant 0 : i32
    %dma_wait3A_94 = tpu.memref_slice %arg7[%dma_wait3A, %dma_wait3A_93] : memref<8448x768xf32, #tpu.memory_space<hbm>> -> memref<8448x768xf32, #tpu.memory_space<hbm>>
    tpu.wait_indirect_dma semaphore(%arg13 : memref<!tpu.dma_semaphore, #tpu.memory_space<semaphore_mem>>) src(%arg12 : memref<64x768xf32, #tpu.memory_space<vmem>>) dst(%dma_wait3A_94 : memref<8448x768xf32, #tpu.memory_space<hbm>>)
    %dma_wait3A_95 = arith.constant 0 : i32
    %dma_wait3A_96 = arith.constant 0 : i32
    %dma_wait3A_97 = tpu.memref_slice %arg7[%dma_wait3A_95, %dma_wait3A_96] : memref<8448x768xf32, #tpu.memory_space<hbm>> -> memref<8448x768xf32, #tpu.memory_space<hbm>>
    tpu.wait_indirect_dma semaphore(%arg13 : memref<!tpu.dma_semaphore, #tpu.memory_space<semaphore_mem>>) src(%arg12 : memref<64x768xf32, #tpu.memory_space<vmem>>) dst(%dma_wait3A_97 : memref<8448x768xf32, #tpu.memory_space<hbm>>)
    return
  }
}

module attributes {stable_mosaic.version = 14 : i64} {
  func.func @_attn_kernel(%arg0: i32, %arg1: i32, %arg2: memref<1x2048x64xbf16, #tpu.memory_space<vmem>>, %arg3: memref<1x2048x64xbf16, #tpu.memory_space<vmem>>, %arg4: memref<1x2048x64xbf16, #tpu.memory_space<vmem>>, %arg5: memref<1x2048x64xf32, #tpu.memory_space<vmem>>) attributes {dimension_semantics = [#tpu.dimension_semantics<arbitrary>, #tpu.dimension_semantics<arbitrary>], iteration_bounds = array<i64: 12, 1>, scalar_prefetch = 0 : i64, scratch_operands = 0 : i64, tpu.core_type = #tpu.core_type<tc>, window_params = [{transform_indices = @transform_0, window_bounds = array<i64: 1, 2048, 64>}, {transform_indices = @transform_1, window_bounds = array<i64: 1, 2048, 64>}, {transform_indices = @transform_2, window_bounds = array<i64: 1, 2048, 64>}, {transform_indices = @transform_3, window_bounds = array<i64: 1, 2048, 64>}]} {
    %get3A = arith.constant 0 : index
    %get3A_0 = arith.constant 0 : index
    %get3A_1 = arith.constant 0 : index
    %get3A_2 = vector.load %arg2[%get3A, %get3A_0, %get3A_1] : memref<1x2048x64xbf16, #tpu.memory_space<vmem>>, vector<1x2048x64xbf16>
    %get3A_3 = vector.shape_cast %get3A_2 : vector<1x2048x64xbf16> to vector<2048x64xbf16>
    %get3A_4 = arith.constant 0 : index
    %get3A_5 = arith.constant 0 : index
    %get3A_6 = arith.constant 0 : index
    %get3A_7 = vector.load %arg3[%get3A_4, %get3A_5, %get3A_6] : memref<1x2048x64xbf16, #tpu.memory_space<vmem>>, vector<1x2048x64xbf16>
    %get3A_8 = vector.shape_cast %get3A_7 : vector<1x2048x64xbf16> to vector<2048x64xbf16>
    %get3A_9 = arith.constant 0 : index
    %get3A_10 = arith.constant 0 : index
    %get3A_11 = arith.constant 0 : index
    %get3A_12 = vector.load %arg4[%get3A_9, %get3A_10, %get3A_11] : memref<1x2048x64xbf16, #tpu.memory_space<vmem>>, vector<1x2048x64xbf16>
    %get3A_13 = vector.shape_cast %get3A_12 : vector<1x2048x64xbf16> to vector<2048x64xbf16>
    %dot_general3A = arith.constant dense<0.000000e+00> : vector<2048x2048xf32>
    %dot_general3A_14 = tpu.matmul %get3A_3, %get3A_8, %dot_general3A {dimension_numbers = #tpu.dot_dimension_numbers<[1], [1], [0], [0], [0, 0, 1, 0], [], []>, transpose_lhs_hint = false} : vector<2048x64xbf16>, vector<2048x64xbf16>, vector<2048x2048xf32> -> vector<2048x2048xf32>
    %mul3A = arith.constant 1.250000e-01 : f32
    %mul3A_15 = vector.broadcast %mul3A : f32 to vector<2048x2048xf32>
    %mul3A_16 = arith.mulf %dot_general3A_14, %mul3A_15 : vector<2048x2048xf32>
    %exp3A = math.exp %mul3A_16 : vector<2048x2048xf32>
    %reduce_sum3A = arith.constant dense<0.000000e+00> : vector<2048xf32>
    %reduce_sum3A_17 = vector.multi_reduction <add>, %exp3A, %reduce_sum3A [1] : vector<2048x2048xf32> to vector<2048xf32>
    %broadcast_in_dim3A = vector.shape_cast %reduce_sum3A_17 : vector<2048xf32> to vector<2048x1xf32>
    %div3A = arith.constant 1.000000e+00 : f32
    %div3A_18 = vector.broadcast %div3A : f32 to vector<2048x1xf32>
    %div3A_19 = arith.divf %div3A_18, %broadcast_in_dim3A : vector<2048x1xf32>
    %mul3A_20 = vector.broadcast %div3A_19 : vector<2048x1xf32> to vector<2048x2048xf32>
    %mul3A_21 = arith.mulf %exp3A, %mul3A_20 : vector<2048x2048xf32>
    %convert_element_type3A = arith.truncf %mul3A_21 : vector<2048x2048xf32> to vector<2048x2048xbf16>
    %dot_general3A_22 = arith.constant dense<0.000000e+00> : vector<2048x64xf32>
    %dot_general3A_23 = tpu.matmul %convert_element_type3A, %get3A_13, %dot_general3A_22 {dimension_numbers = #tpu.dot_dimension_numbers<[1], [0], [0], [1], [0, 0, 1, 1], [], []>, transpose_lhs_hint = false} : vector<2048x2048xbf16>, vector<2048x64xbf16>, vector<2048x64xf32> -> vector<2048x64xf32>
    %swap3A = arith.constant 0 : index
    %swap3A_24 = arith.constant 0 : index
    %swap3A_25 = arith.constant 0 : index
    %swap3A_26 = vector.load %arg5[%swap3A, %swap3A_24, %swap3A_25] : memref<1x2048x64xf32, #tpu.memory_space<vmem>>, vector<1x2048x64xf32>
    %swap3A_27 = vector.shape_cast %swap3A_26 : vector<1x2048x64xf32> to vector<2048x64xf32>
    %swap3A_28 = vector.shape_cast %dot_general3A_23 : vector<2048x64xf32> to vector<1x2048x64xf32>
    tpu.vector_store %arg5[%swap3A, %swap3A_24, %swap3A_25], %swap3A_28 {strides = array<i32>} : memref<1x2048x64xf32, #tpu.memory_space<vmem>>, vector<1x2048x64xf32>,
    return
  }
  func.func @transform_0(%arg0: i32, %arg1: i32) -> (i32, i32, i32) {
    %c0_i32 = arith.constant 0 : i32
    %c0_i32_0 = arith.constant 0 : i32
    return %arg0, %arg1, %c0_i32 : i32, i32, i32
  }
  func.func @transform_1(%arg0: i32, %arg1: i32) -> (i32, i32, i32) {
    %c0_i32 = arith.constant 0 : i32
    %c0_i32_0 = arith.constant 0 : i32
    %c0_i32_1 = arith.constant 0 : i32
    return %arg0, %c0_i32, %c0_i32_0 : i32, i32, i32
  }
  func.func @transform_2(%arg0: i32, %arg1: i32) -> (i32, i32, i32) {
    %c0_i32 = arith.constant 0 : i32
    %c0_i32_0 = arith.constant 0 : i32
    %c0_i32_1 = arith.constant 0 : i32
    return %arg0, %c0_i32, %c0_i32_0 : i32, i32, i32
  }
  func.func @transform_3(%arg0: i32, %arg1: i32) -> (i32, i32, i32) {
    %c0_i32 = arith.constant 0 : i32
    %c0_i32_0 = arith.constant 0 : i32
    return %arg0, %arg1, %c0_i32 : i32, i32, i32
  }
}

module attributes {stable_mosaic.version = 14 : i64} {
  func.func @_router_kernel(%arg0: i32, %arg1: memref<512x768xf32, #tpu.memory_space<vmem>>, %arg2: memref<12x512x64xf32, #tpu.memory_space<vmem>>, %arg3: memref<768x768xf32, #tpu.memory_space<vmem>>, %arg4: memref<1x768xf32, #tpu.memory_space<vmem>>, %arg5: memref<1x768xf32, #tpu.memory_space<vmem>>, %arg6: memref<1x768xf32, #tpu.memory_space<vmem>>, %arg7: memref<768x64xf32, #tpu.memory_space<vmem>>, %arg8: memref<768x8xf32, #tpu.memory_space<vmem>>, %arg9: memref<8x64xf32, #tpu.memory_space<vmem>>, %arg10: memref<512x768xf32, #tpu.memory_space<vmem>>, %arg11: memref<512x768xf32, #tpu.memory_space<vmem>>, %arg12: memref<512x1xi32, #tpu.memory_space<vmem>>, %arg13: memref<512x1xi32, #tpu.memory_space<vmem>>, %arg14: memref<512x1xi32, #tpu.memory_space<vmem>>, %arg15: memref<512x1xi32, #tpu.memory_space<vmem>>, %arg16: memref<512x1xf32, #tpu.memory_space<vmem>>, %arg17: memref<512x1xf32, #tpu.memory_space<vmem>>, %arg18: memref<1x64xf32, #tpu.memory_space<vmem>>) attributes {dimension_semantics = [#tpu.dimension_semantics<arbitrary>], iteration_bounds = array<i64: 4>, scalar_prefetch = 0 : i64, scratch_operands = 1 : i64, tpu.core_type = #tpu.core_type<tc>, window_params = [{transform_indices = @transform_0, window_bounds = array<i64: 512, 768>}, {transform_indices = @transform_1, window_bounds = array<i64: 12, 512, 64>}, {pipeline_mode = #tpu.pipeline_mode<synchronous>, transform_indices = @transform_2, window_bounds = array<i64: 768, 768>}, {pipeline_mode = #tpu.pipeline_mode<synchronous>, transform_indices = @transform_3, window_bounds = array<i64: 1, 768>}, {pipeline_mode = #tpu.pipeline_mode<synchronous>, transform_indices = @transform_4, window_bounds = array<i64: 1, 768>}, {pipeline_mode = #tpu.pipeline_mode<synchronous>, transform_indices = @transform_5, window_bounds = array<i64: 1, 768>}, {pipeline_mode = #tpu.pipeline_mode<synchronous>, transform_indices = @transform_6, window_bounds = array<i64: 768, 64>}, {pipeline_mode = #tpu.pipeline_mode<synchronous>, transform_indices = @transform_7, window_bounds = array<i64: 768, 8>}, {pipeline_mode = #tpu.pipeline_mode<synchronous>, transform_indices = @transform_8, window_bounds = array<i64: 8, 64>}, {transform_indices = @transform_9, window_bounds = array<i64: 512, 768>}, {transform_indices = @transform_10, window_bounds = array<i64: 512, 768>}, {transform_indices = @transform_11, window_bounds = array<i64: 512, 1>}, {transform_indices = @transform_12, window_bounds = array<i64: 512, 1>}, {transform_indices = @transform_13, window_bounds = array<i64: 512, 1>}, {transform_indices = @transform_14, window_bounds = array<i64: 512, 1>}, {transform_indices = @transform_15, window_bounds = array<i64: 512, 1>}, {transform_indices = @transform_16, window_bounds = array<i64: 512, 1>}]} {
    %eq3A = arith.constant 0 : i32
    %eq3A_0 = arith.cmpi eq, %arg0, %eq3A : i32
    %convert_element_type3A = arith.extui %eq3A_0 : i1 to i32
    %cond3A = arith.constant 0 : i32
    %cond3A_1 = arith.cmpi ne, %convert_element_type3A, %cond3A : i32
    scf.if %cond3A_1 {
      %broadcast_in_dim3A_254 = arith.constant 0.000000e+00 : f32
      %broadcast_in_dim3A_255 = vector.broadcast %broadcast_in_dim3A_254 : f32 to vector<1x64xf32>
      %swap3A_256 = arith.constant 0 : index
      %swap3A_257 = arith.constant 0 : index
      %swap3A_258 = vector.load %arg18[%swap3A_256, %swap3A_257] : memref<1x64xf32, #tpu.memory_space<vmem>>, vector<1x64xf32>
      tpu.vector_store %arg18[%swap3A_256, %swap3A_257], %broadcast_in_dim3A_255 {strides = array<i32>} : memref<1x64xf32, #tpu.memory_space<vmem>>, vector<1x64xf32>,
    } else {
    }
    %get3A = arith.constant 0 : index
    %get3A_2 = arith.constant 0 : index
    %get3A_3 = arith.constant 0 : index
    %get3A_4 = vector.load %arg2[%get3A, %get3A_2, %get3A_3] : memref<12x512x64xf32, #tpu.memory_space<vmem>>, vector<1x512x64xf32>
    %get3A_5 = vector.shape_cast %get3A_4 : vector<1x512x64xf32> to vector<512x64xf32>
    %get3A_6 = arith.constant 1 : index
    %get3A_7 = arith.constant 0 : index
    %get3A_8 = arith.constant 0 : index
    %get3A_9 = vector.load %arg2[%get3A_6, %get3A_7, %get3A_8] : memref<12x512x64xf32, #tpu.memory_space<vmem>>, vector<1x512x64xf32>
    %get3A_10 = vector.shape_cast %get3A_9 : vector<1x512x64xf32> to vector<512x64xf32>
    %get3A_11 = arith.constant 2 : index
    %get3A_12 = arith.constant 0 : index
    %get3A_13 = arith.constant 0 : index
    %get3A_14 = vector.load %arg2[%get3A_11, %get3A_12, %get3A_13] : memref<12x512x64xf32, #tpu.memory_space<vmem>>, vector<1x512x64xf32>
    %get3A_15 = vector.shape_cast %get3A_14 : vector<1x512x64xf32> to vector<512x64xf32>
    %get3A_16 = arith.constant 3 : index
    %get3A_17 = arith.constant 0 : index
    %get3A_18 = arith.constant 0 : index
    %get3A_19 = vector.load %arg2[%get3A_16, %get3A_17, %get3A_18] : memref<12x512x64xf32, #tpu.memory_space<vmem>>, vector<1x512x64xf32>
    %get3A_20 = vector.shape_cast %get3A_19 : vector<1x512x64xf32> to vector<512x64xf32>
    %get3A_21 = arith.constant 4 : index
    %get3A_22 = arith.constant 0 : index
    %get3A_23 = arith.constant 0 : index
    %get3A_24 = vector.load %arg2[%get3A_21, %get3A_22, %get3A_23] : memref<12x512x64xf32, #tpu.memory_space<vmem>>, vector<1x512x64xf32>
    %get3A_25 = vector.shape_cast %get3A_24 : vector<1x512x64xf32> to vector<512x64xf32>
    %get3A_26 = arith.constant 5 : index
    %get3A_27 = arith.constant 0 : index
    %get3A_28 = arith.constant 0 : index
    %get3A_29 = vector.load %arg2[%get3A_26, %get3A_27, %get3A_28] : memref<12x512x64xf32, #tpu.memory_space<vmem>>, vector<1x512x64xf32>
    %get3A_30 = vector.shape_cast %get3A_29 : vector<1x512x64xf32> to vector<512x64xf32>
    %get3A_31 = arith.constant 6 : index
    %get3A_32 = arith.constant 0 : index
    %get3A_33 = arith.constant 0 : index
    %get3A_34 = vector.load %arg2[%get3A_31, %get3A_32, %get3A_33] : memref<12x512x64xf32, #tpu.memory_space<vmem>>, vector<1x512x64xf32>
    %get3A_35 = vector.shape_cast %get3A_34 : vector<1x512x64xf32> to vector<512x64xf32>
    %get3A_36 = arith.constant 7 : index
    %get3A_37 = arith.constant 0 : index
    %get3A_38 = arith.constant 0 : index
    %get3A_39 = vector.load %arg2[%get3A_36, %get3A_37, %get3A_38] : memref<12x512x64xf32, #tpu.memory_space<vmem>>, vector<1x512x64xf32>
    %get3A_40 = vector.shape_cast %get3A_39 : vector<1x512x64xf32> to vector<512x64xf32>
    %get3A_41 = arith.constant 8 : index
    %get3A_42 = arith.constant 0 : index
    %get3A_43 = arith.constant 0 : index
    %get3A_44 = vector.load %arg2[%get3A_41, %get3A_42, %get3A_43] : memref<12x512x64xf32, #tpu.memory_space<vmem>>, vector<1x512x64xf32>
    %get3A_45 = vector.shape_cast %get3A_44 : vector<1x512x64xf32> to vector<512x64xf32>
    %get3A_46 = arith.constant 9 : index
    %get3A_47 = arith.constant 0 : index
    %get3A_48 = arith.constant 0 : index
    %get3A_49 = vector.load %arg2[%get3A_46, %get3A_47, %get3A_48] : memref<12x512x64xf32, #tpu.memory_space<vmem>>, vector<1x512x64xf32>
    %get3A_50 = vector.shape_cast %get3A_49 : vector<1x512x64xf32> to vector<512x64xf32>
    %get3A_51 = arith.constant 10 : index
    %get3A_52 = arith.constant 0 : index
    %get3A_53 = arith.constant 0 : index
    %get3A_54 = vector.load %arg2[%get3A_51, %get3A_52, %get3A_53] : memref<12x512x64xf32, #tpu.memory_space<vmem>>, vector<1x512x64xf32>
    %get3A_55 = vector.shape_cast %get3A_54 : vector<1x512x64xf32> to vector<512x64xf32>
    %get3A_56 = arith.constant 11 : index
    %get3A_57 = arith.constant 0 : index
    %get3A_58 = arith.constant 0 : index
    %get3A_59 = vector.load %arg2[%get3A_56, %get3A_57, %get3A_58] : memref<12x512x64xf32, #tpu.memory_space<vmem>>, vector<1x512x64xf32>
    %get3A_60 = vector.shape_cast %get3A_59 : vector<1x512x64xf32> to vector<512x64xf32>
    %concatenate3A = tpu.concatenate %get3A_5, %get3A_10, %get3A_15, %get3A_20, %get3A_25, %get3A_30, %get3A_35, %get3A_40, %get3A_45, %get3A_50, %get3A_55, %get3A_60 in 1 : vector<512x64xf32>, vector<512x64xf32>, vector<512x64xf32>, vector<512x64xf32>, vector<512x64xf32>, vector<512x64xf32>, vector<512x64xf32>, vector<512x64xf32>, vector<512x64xf32>, vector<512x64xf32>, vector<512x64xf32>, vector<512x64xf32> -> vector<512x768xf32>
    %get3A_61 = arith.constant 0 : index
    %get3A_62 = arith.constant 0 : index
    %get3A_63 = vector.load %arg1[%get3A_61, %get3A_62] : memref<512x768xf32, #tpu.memory_space<vmem>>, vector<512x768xf32>
    %get3A_64 = arith.constant 0 : index
    %get3A_65 = arith.constant 0 : index
    %get3A_66 = vector.load %arg3[%get3A_64, %get3A_65] : memref<768x768xf32, #tpu.memory_space<vmem>>, vector<768x768xf32>
    %dot_general3A = arith.constant dense<0.000000e+00> : vector<512x768xf32>
    %dot_general3A_67 = tpu.matmul %concatenate3A, %get3A_66, %dot_general3A {dimension_numbers = #tpu.dot_dimension_numbers<[1], [1], [0], [0], [0, 0, 1, 0], [], []>, transpose_lhs_hint = false} : vector<512x768xf32>, vector<768x768xf32>, vector<512x768xf32> -> vector<512x768xf32>
    %add3A = arith.addf %get3A_63, %dot_general3A_67 : vector<512x768xf32>
    %get3A_68 = arith.constant 0 : index
    %get3A_69 = arith.constant 0 : index
    %get3A_70 = vector.load %arg4[%get3A_68, %get3A_69] : memref<1x768xf32, #tpu.memory_space<vmem>>, vector<1x768xf32>
    %add3A_71 = vector.broadcast %get3A_70 : vector<1x768xf32> to vector<512x768xf32>
    %add3A_72 = arith.addf %add3A, %add3A_71 : vector<512x768xf32>
    %swap3A = arith.constant 0 : index
    %swap3A_73 = arith.constant 0 : index
    %swap3A_74 = vector.load %arg10[%swap3A, %swap3A_73] : memref<512x768xf32, #tpu.memory_space<vmem>>, vector<512x768xf32>
    tpu.vector_store %arg10[%swap3A, %swap3A_73], %add3A_72 {strides = array<i32>} : memref<512x768xf32, #tpu.memory_space<vmem>>, vector<512x768xf32>,
    %get3A_75 = arith.constant 0 : index
    %get3A_76 = arith.constant 0 : index
    %get3A_77 = vector.load %arg5[%get3A_75, %get3A_76] : memref<1x768xf32, #tpu.memory_space<vmem>>, vector<1x768xf32>
    %get3A_78 = arith.constant 0 : index
    %get3A_79 = arith.constant 0 : index
    %get3A_80 = vector.load %arg6[%get3A_78, %get3A_79] : memref<1x768xf32, #tpu.memory_space<vmem>>, vector<1x768xf32>
    %reduce_sum3A = arith.constant dense<0.000000e+00> : vector<512xf32>
    %reduce_sum3A_81 = vector.multi_reduction <add>, %add3A_72, %reduce_sum3A [1] : vector<512x768xf32> to vector<512xf32>
    %broadcast_in_dim3A = vector.shape_cast %reduce_sum3A_81 : vector<512xf32> to vector<512x1xf32>
    %div3A = arith.constant 7.680000e+02 : f32
    %div3A_82 = vector.broadcast %div3A : f32 to vector<512x1xf32>
    %div3A_83 = arith.divf %broadcast_in_dim3A, %div3A_82 : vector<512x1xf32>
    %sub3A = vector.broadcast %div3A_83 : vector<512x1xf32> to vector<512x768xf32>
    %sub3A_84 = arith.subf %add3A_72, %sub3A : vector<512x768xf32>
    %integer_pow3A = arith.mulf %sub3A_84, %sub3A_84 : vector<512x768xf32>
    %reduce_sum3A_85 = arith.constant dense<0.000000e+00> : vector<512xf32>
    %reduce_sum3A_86 = vector.multi_reduction <add>, %integer_pow3A, %reduce_sum3A_85 [1] : vector<512x768xf32> to vector<512xf32>
    %broadcast_in_dim3A_87 = vector.shape_cast %reduce_sum3A_86 : vector<512xf32> to vector<512x1xf32>
    %div3A_88 = arith.constant 7.680000e+02 : f32
    %div3A_89 = vector.broadcast %div3A_88 : f32 to vector<512x1xf32>
    %div3A_90 = arith.divf %broadcast_in_dim3A_87, %div3A_89 : vector<512x1xf32>
    %sub3A_91 = vector.broadcast %div3A_83 : vector<512x1xf32> to vector<512x768xf32>
    %sub3A_92 = arith.subf %add3A_72, %sub3A_91 : vector<512x768xf32>
    %add3A_93 = arith.constant 9.99999974E-6 : f32
    %add3A_94 = vector.broadcast %add3A_93 : f32 to vector<512x1xf32>
    %add3A_95 = arith.addf %div3A_90, %add3A_94 : vector<512x1xf32>
    %sqrt3A = math.sqrt %add3A_95 : vector<512x1xf32>
    %div3A_96 = vector.broadcast %sqrt3A : vector<512x1xf32> to vector<512x768xf32>
    %div3A_97 = arith.divf %sub3A_92, %div3A_96 : vector<512x768xf32>
    %mul3A = vector.broadcast %get3A_77 : vector<1x768xf32> to vector<512x768xf32>
    %mul3A_98 = arith.mulf %div3A_97, %mul3A : vector<512x768xf32>
    %add3A_99 = vector.broadcast %get3A_80 : vector<1x768xf32> to vector<512x768xf32>
    %add3A_100 = arith.addf %mul3A_98, %add3A_99 : vector<512x768xf32>
    %swap3A_101 = arith.constant 0 : index
    %swap3A_102 = arith.constant 0 : index
    %swap3A_103 = vector.load %arg11[%swap3A_101, %swap3A_102] : memref<512x768xf32, #tpu.memory_space<vmem>>, vector<512x768xf32>
    tpu.vector_store %arg11[%swap3A_101, %swap3A_102], %add3A_100 {strides = array<i32>} : memref<512x768xf32, #tpu.memory_space<vmem>>, vector<512x768xf32>,
    %get3A_104 = arith.constant 0 : index
    %get3A_105 = arith.constant 0 : index
    %get3A_106 = vector.load %arg8[%get3A_104, %get3A_105] : memref<768x8xf32, #tpu.memory_space<vmem>>, vector<768x8xf32>
    %dot_general3A_107 = arith.constant dense<0.000000e+00> : vector<512x8xf32>
    %dot_general3A_108 = tpu.matmul %add3A_100, %get3A_106, %dot_general3A_107 {dimension_numbers = #tpu.dot_dimension_numbers<[1], [0], [0], [1], [0, 0, 1, 1], [], []>, transpose_lhs_hint = false} : vector<512x768xf32>, vector<768x8xf32>, vector<512x8xf32> -> vector<512x8xf32>
    %reduce_max3A = arith.constant dense<0xFF800000> : vector<512xf32>
    %reduce_max3A_109 = vector.multi_reduction <maximumf>, %dot_general3A_108, %reduce_max3A [1] : vector<512x8xf32> to vector<512xf32>
    %broadcast_in_dim3A_110 = vector.shape_cast %reduce_max3A_109 : vector<512xf32> to vector<512x1xf32>
    %iota3A = tpu.iota {dimensions = array<i32: 1>} : vector<512x8xi32>
    %eq3A_111 = vector.broadcast %broadcast_in_dim3A_110 : vector<512x1xf32> to vector<512x8xf32>
    %eq3A_112 = arith.cmpf oeq, %dot_general3A_108, %eq3A_111 : vector<512x8xf32>
    %jit3A = arith.constant 8 : i32
    %broadcast_in_dim3A_113 = vector.broadcast %jit3A : i32 to vector<512x8xi32>
    %select_n3A = arith.select %eq3A_112, %iota3A, %broadcast_in_dim3A_113 : vector<512x8xi1>, vector<512x8xi32>
    %reduce_min3A = arith.constant dense<2147483647> : vector<512xi32>
    %reduce_min3A_114 = vector.multi_reduction <minsi>, %select_n3A, %reduce_min3A [1] : vector<512x8xi32> to vector<512xi32>
    %broadcast_in_dim3A_115 = vector.shape_cast %reduce_min3A_114 : vector<512xi32> to vector<512x1xi32>
    %eq3A_116 = vector.broadcast %broadcast_in_dim3A_115 : vector<512x1xi32> to vector<512x8xi32>
    %eq3A_117 = arith.cmpi eq, %iota3A, %eq3A_116 : vector<512x8xi32>
    %convert_element_type3A_118 = arith.extui %eq3A_117 : vector<512x8xi1> to vector<512x8xi32>
    %convert_element_type3A_119 = arith.sitofp %convert_element_type3A_118 : vector<512x8xi32> to vector<512x8xf32>
    %get3A_120 = arith.constant 0 : index
    %get3A_121 = arith.constant 0 : index
    %get3A_122 = vector.load %arg7[%get3A_120, %get3A_121] : memref<768x64xf32, #tpu.memory_space<vmem>>, vector<768x64xf32>
    %dot_general3A_123 = arith.constant dense<0.000000e+00> : vector<512x64xf32>
    %dot_general3A_124 = tpu.matmul %add3A_100, %get3A_122, %dot_general3A_123 {dimension_numbers = #tpu.dot_dimension_numbers<[1], [0], [0], [1], [0, 0, 1, 1], [], []>, transpose_lhs_hint = false} : vector<512x768xf32>, vector<768x64xf32>, vector<512x64xf32> -> vector<512x64xf32>
    %get3A_125 = arith.constant 0 : index
    %get3A_126 = arith.constant 0 : index
    %get3A_127 = vector.load %arg9[%get3A_125, %get3A_126] : memref<8x64xf32, #tpu.memory_space<vmem>>, vector<8x64xf32>
    %dot_general3A_128 = arith.constant dense<0.000000e+00> : vector<512x64xf32>
    %dot_general3A_129 = tpu.matmul %convert_element_type3A_119, %get3A_127, %dot_general3A_128 {dimension_numbers = #tpu.dot_dimension_numbers<[1], [0], [0], [1], [0, 0, 1, 1], [], []>, transpose_lhs_hint = false} : vector<512x8xf32>, vector<8x64xf32>, vector<512x64xf32> -> vector<512x64xf32>
    %add3A_130 = arith.addf %dot_general3A_124, %dot_general3A_129 : vector<512x64xf32>
    %iota3A_131 = tpu.iota {dimensions = array<i32: 1>} : vector<512x64xi32>
    %reduce_max3A_132 = arith.constant dense<0xFF800000> : vector<512xf32>
    %reduce_max3A_133 = vector.multi_reduction <maximumf>, %add3A_130, %reduce_max3A_132 [1] : vector<512x64xf32> to vector<512xf32>
    %broadcast_in_dim3A_134 = vector.shape_cast %reduce_max3A_133 : vector<512xf32> to vector<512x1xf32>
    %eq3A_135 = vector.broadcast %broadcast_in_dim3A_134 : vector<512x1xf32> to vector<512x64xf32>
    %eq3A_136 = arith.cmpf oeq, %add3A_130, %eq3A_135 : vector<512x64xf32>
    %jit3A_137 = arith.constant 64 : i32
    %broadcast_in_dim3A_138 = vector.broadcast %jit3A_137 : i32 to vector<512x64xi32>
    %select_n3A_139 = arith.select %eq3A_136, %iota3A_131, %broadcast_in_dim3A_138 : vector<512x64xi1>, vector<512x64xi32>
    %reduce_min3A_140 = arith.constant dense<2147483647> : vector<512xi32>
    %reduce_min3A_141 = vector.multi_reduction <minsi>, %select_n3A_139, %reduce_min3A_140 [1] : vector<512x64xi32> to vector<512xi32>
    %broadcast_in_dim3A_142 = vector.shape_cast %reduce_min3A_141 : vector<512xi32> to vector<512x1xi32>
    %eq3A_143 = vector.broadcast %broadcast_in_dim3A_142 : vector<512x1xi32> to vector<512x64xi32>
    %eq3A_144 = arith.cmpi eq, %iota3A_131, %eq3A_143 : vector<512x64xi32>
    %jit3A_145 = arith.constant -1.000000e+30 : f32
    %broadcast_in_dim3A_146 = vector.broadcast %jit3A_145 : f32 to vector<512x64xf32>
    %select_n3A_147 = arith.select %eq3A_144, %broadcast_in_dim3A_146, %add3A_130 : vector<512x64xi1>, vector<512x64xf32>
    %reduce_max3A_148 = arith.constant dense<0xFF800000> : vector<512xf32>
    %reduce_max3A_149 = vector.multi_reduction <maximumf>, %select_n3A_147, %reduce_max3A_148 [1] : vector<512x64xf32> to vector<512xf32>
    %broadcast_in_dim3A_150 = vector.shape_cast %reduce_max3A_149 : vector<512xf32> to vector<512x1xf32>
    %eq3A_151 = vector.broadcast %broadcast_in_dim3A_150 : vector<512x1xf32> to vector<512x64xf32>
    %eq3A_152 = arith.cmpf oeq, %select_n3A_147, %eq3A_151 : vector<512x64xf32>
    %jit3A_153 = arith.constant 64 : i32
    %broadcast_in_dim3A_154 = vector.broadcast %jit3A_153 : i32 to vector<512x64xi32>
    %select_n3A_155 = arith.select %eq3A_152, %iota3A_131, %broadcast_in_dim3A_154 : vector<512x64xi1>, vector<512x64xi32>
    %reduce_min3A_156 = arith.constant dense<2147483647> : vector<512xi32>
    %reduce_min3A_157 = vector.multi_reduction <minsi>, %select_n3A_155, %reduce_min3A_156 [1] : vector<512x64xi32> to vector<512xi32>
    %broadcast_in_dim3A_158 = vector.shape_cast %reduce_min3A_157 : vector<512xi32> to vector<512x1xi32>
    %sub3A_159 = arith.subf %broadcast_in_dim3A_150, %broadcast_in_dim3A_134 : vector<512x1xf32>
    %exp3A = math.exp %sub3A_159 : vector<512x1xf32>
    %add3A_160 = arith.constant 1.000000e+00 : f32
    %add3A_161 = vector.broadcast %add3A_160 : f32 to vector<512x1xf32>
    %add3A_162 = arith.addf %add3A_161, %exp3A : vector<512x1xf32>
    %div3A_163 = arith.constant 1.000000e+00 : f32
    %div3A_164 = vector.broadcast %div3A_163 : f32 to vector<512x1xf32>
    %div3A_165 = arith.divf %div3A_164, %add3A_162 : vector<512x1xf32>
    %add3A_166 = arith.constant 1.000000e+00 : f32
    %add3A_167 = vector.broadcast %add3A_166 : f32 to vector<512x1xf32>
    %add3A_168 = arith.addf %add3A_167, %exp3A : vector<512x1xf32>
    %div3A_169 = arith.divf %exp3A, %add3A_168 : vector<512x1xf32>
    %eq3A_170 = vector.broadcast %broadcast_in_dim3A_142 : vector<512x1xi32> to vector<512x64xi32>
    %eq3A_171 = arith.cmpi eq, %iota3A_131, %eq3A_170 : vector<512x64xi32>
    %convert_element_type3A_172 = arith.extui %eq3A_171 : vector<512x64xi1> to vector<512x64xi32>
    %convert_element_type3A_173 = arith.sitofp %convert_element_type3A_172 : vector<512x64xi32> to vector<512x64xf32>
    %eq3A_174 = vector.broadcast %broadcast_in_dim3A_158 : vector<512x1xi32> to vector<512x64xi32>
    %eq3A_175 = arith.cmpi eq, %iota3A_131, %eq3A_174 : vector<512x64xi32>
    %convert_element_type3A_176 = arith.extui %eq3A_175 : vector<512x64xi1> to vector<512x64xi32>
    %convert_element_type3A_177 = arith.sitofp %convert_element_type3A_176 : vector<512x64xi32> to vector<512x64xf32>
    %iota3A_178 = tpu.iota {dimensions = array<i32: 0>} : vector<512x512xi32>
    %iota3A_179 = tpu.iota {dimensions = array<i32: 1>} : vector<512x512xi32>
    %gt3A = arith.cmpi sgt, %iota3A_178, %iota3A_179 : vector<512x512xi32>
    %convert_element_type3A_180 = arith.extui %gt3A : vector<512x512xi1> to vector<512x512xi32>
    %convert_element_type3A_181 = arith.sitofp %convert_element_type3A_180 : vector<512x512xi32> to vector<512x512xf32>
    %add3A_182 = arith.addf %convert_element_type3A_173, %convert_element_type3A_177 : vector<512x64xf32>
    %dot_general3A_183 = arith.constant dense<0.000000e+00> : vector<512x64xf32>
    %dot_general3A_184 = tpu.matmul %convert_element_type3A_181, %add3A_182, %dot_general3A_183 {dimension_numbers = #tpu.dot_dimension_numbers<[1], [0], [0], [1], [0, 0, 1, 1], [], []>, transpose_lhs_hint = false} : vector<512x512xf32>, vector<512x64xf32>, vector<512x64xf32> -> vector<512x64xf32>
    %get3A_185 = arith.constant 0 : index
    %get3A_186 = arith.constant 0 : index
    %get3A_187 = vector.load %arg18[%get3A_185, %get3A_186] : memref<1x64xf32, #tpu.memory_space<vmem>>, vector<1x64xf32>
    %add3A_188 = vector.broadcast %get3A_187 : vector<1x64xf32> to vector<512x64xf32>
    %add3A_189 = arith.addf %add3A_188, %dot_general3A_184 : vector<512x64xf32>
    %mul3A_190 = arith.mulf %add3A_189, %convert_element_type3A_173 : vector<512x64xf32>
    %reduce_sum3A_191 = arith.constant dense<0.000000e+00> : vector<512xf32>
    %reduce_sum3A_192 = vector.multi_reduction <add>, %mul3A_190, %reduce_sum3A_191 [1] : vector<512x64xf32> to vector<512xf32>
    %broadcast_in_dim3A_193 = vector.shape_cast %reduce_sum3A_192 : vector<512xf32> to vector<512x1xf32>
    %add3A_194 = arith.addf %add3A_189, %convert_element_type3A_173 : vector<512x64xf32>
    %mul3A_195 = arith.mulf %add3A_194, %convert_element_type3A_177 : vector<512x64xf32>
    %reduce_sum3A_196 = arith.constant dense<0.000000e+00> : vector<512xf32>
    %reduce_sum3A_197 = vector.multi_reduction <add>, %mul3A_195, %reduce_sum3A_196 [1] : vector<512x64xf32> to vector<512xf32>
    %broadcast_in_dim3A_198 = vector.shape_cast %reduce_sum3A_197 : vector<512xf32> to vector<512x1xf32>
    %get3A_199 = arith.constant 0 : index
    %get3A_200 = arith.constant 0 : index
    %get3A_201 = vector.load %arg18[%get3A_199, %get3A_200] : memref<1x64xf32, #tpu.memory_space<vmem>>, vector<1x64xf32>
    %add3A_202 = arith.addf %convert_element_type3A_173, %convert_element_type3A_177 : vector<512x64xf32>
    %reduce_sum3A_203 = arith.constant dense<0.000000e+00> : vector<64xf32>
    %reduce_sum3A_204 = vector.multi_reduction <add>, %add3A_202, %reduce_sum3A_203 [0] : vector<512x64xf32> to vector<64xf32>
    %broadcast_in_dim3A_205 = vector.shape_cast %reduce_sum3A_204 : vector<64xf32> to vector<1x64xf32>
    %add3A_206 = arith.addf %get3A_201, %broadcast_in_dim3A_205 : vector<1x64xf32>
    %swap3A_207 = arith.constant 0 : index
    %swap3A_208 = arith.constant 0 : index
    %swap3A_209 = vector.load %arg18[%swap3A_207, %swap3A_208] : memref<1x64xf32, #tpu.memory_space<vmem>>, vector<1x64xf32>
    tpu.vector_store %arg18[%swap3A_207, %swap3A_208], %add3A_206 {strides = array<i32>} : memref<1x64xf32, #tpu.memory_space<vmem>>, vector<1x64xf32>,
    %convert_element_type3A_210 = arith.fptosi %broadcast_in_dim3A_193 : vector<512x1xf32> to vector<512x1xi32>
    %convert_element_type3A_211 = arith.fptosi %broadcast_in_dim3A_198 : vector<512x1xf32> to vector<512x1xi32>
    %lt3A = arith.constant 128 : i32
    %lt3A_212 = vector.broadcast %lt3A : i32 to vector<512x1xi32>
    %lt3A_213 = arith.cmpi slt, %convert_element_type3A_210, %lt3A_212 : vector<512x1xi32>
    %convert_element_type3A_214 = arith.extui %lt3A_213 : vector<512x1xi1> to vector<512x1xi32>
    %lt3A_215 = arith.constant 128 : i32
    %lt3A_216 = vector.broadcast %lt3A_215 : i32 to vector<512x1xi32>
    %lt3A_217 = arith.cmpi slt, %convert_element_type3A_211, %lt3A_216 : vector<512x1xi32>
    %convert_element_type3A_218 = arith.extui %lt3A_217 : vector<512x1xi1> to vector<512x1xi32>
    %swap3A_219 = arith.constant 0 : index
    %swap3A_220 = arith.constant 0 : index
    %swap3A_221 = vector.load %arg14[%swap3A_219, %swap3A_220] : memref<512x1xi32, #tpu.memory_space<vmem>>, vector<512x1xi32>
    tpu.vector_store %arg14[%swap3A_219, %swap3A_220], %convert_element_type3A_214 {strides = array<i32>} : memref<512x1xi32, #tpu.memory_space<vmem>>, vector<512x1xi32>,
    %swap3A_222 = arith.constant 0 : index
    %swap3A_223 = arith.constant 0 : index
    %swap3A_224 = vector.load %arg15[%swap3A_222, %swap3A_223] : memref<512x1xi32, #tpu.memory_space<vmem>>, vector<512x1xi32>
    tpu.vector_store %arg15[%swap3A_222, %swap3A_223], %convert_element_type3A_218 {strides = array<i32>} : memref<512x1xi32, #tpu.memory_space<vmem>>, vector<512x1xi32>,
    %mul3A_225 = arith.constant 128 : i32
    %mul3A_226 = vector.broadcast %mul3A_225 : i32 to vector<512x1xi32>
    %mul3A_227 = arith.muli %broadcast_in_dim3A_142, %mul3A_226 : vector<512x1xi32>
    %min3A = arith.constant 127 : i32
    %min3A_228 = vector.broadcast %min3A : i32 to vector<512x1xi32>
    %min3A_229 = arith.minsi %convert_element_type3A_210, %min3A_228 : vector<512x1xi32>
    %add3A_230 = arith.addi %mul3A_227, %min3A_229 : vector<512x1xi32>
    %swap3A_231 = arith.constant 0 : index
    %swap3A_232 = arith.constant 0 : index
    %swap3A_233 = vector.load %arg12[%swap3A_231, %swap3A_232] : memref<512x1xi32, #tpu.memory_space<vmem>>, vector<512x1xi32>
    tpu.vector_store %arg12[%swap3A_231, %swap3A_232], %add3A_230 {strides = array<i32>} : memref<512x1xi32, #tpu.memory_space<vmem>>, vector<512x1xi32>,
    %mul3A_234 = arith.constant 128 : i32
    %mul3A_235 = vector.broadcast %mul3A_234 : i32 to vector<512x1xi32>
    %mul3A_236 = arith.muli %broadcast_in_dim3A_158, %mul3A_235 : vector<512x1xi32>
    %min3A_237 = arith.constant 127 : i32
    %min3A_238 = vector.broadcast %min3A_237 : i32 to vector<512x1xi32>
    %min3A_239 = arith.minsi %convert_element_type3A_211, %min3A_238 : vector<512x1xi32>
    %add3A_240 = arith.addi %mul3A_236, %min3A_239 : vector<512x1xi32>
    %swap3A_241 = arith.constant 0 : index
    %swap3A_242 = arith.constant 0 : index
    %swap3A_243 = vector.load %arg13[%swap3A_241, %swap3A_242] : memref<512x1xi32, #tpu.memory_space<vmem>>, vector<512x1xi32>
    tpu.vector_store %arg13[%swap3A_241, %swap3A_242], %add3A_240 {strides = array<i32>} : memref<512x1xi32, #tpu.memory_space<vmem>>, vector<512x1xi32>,
    %convert_element_type3A_244 = arith.sitofp %convert_element_type3A_214 : vector<512x1xi32> to vector<512x1xf32>
    %mul3A_245 = arith.mulf %convert_element_type3A_244, %div3A_165 : vector<512x1xf32>
    %swap3A_246 = arith.constant 0 : index
    %swap3A_247 = arith.constant 0 : index
    %swap3A_248 = vector.load %arg16[%swap3A_246, %swap3A_247] : memref<512x1xf32, #tpu.memory_space<vmem>>, vector<512x1xf32>
    tpu.vector_store %arg16[%swap3A_246, %swap3A_247], %mul3A_245 {strides = array<i32>} : memref<512x1xf32, #tpu.memory_space<vmem>>, vector<512x1xf32>,
    %convert_element_type3A_249 = arith.sitofp %convert_element_type3A_218 : vector<512x1xi32> to vector<512x1xf32>
    %mul3A_250 = arith.mulf %convert_element_type3A_249, %div3A_169 : vector<512x1xf32>
    %swap3A_251 = arith.constant 0 : index
    %swap3A_252 = arith.constant 0 : index
    %swap3A_253 = vector.load %arg17[%swap3A_251, %swap3A_252] : memref<512x1xf32, #tpu.memory_space<vmem>>, vector<512x1xf32>
    tpu.vector_store %arg17[%swap3A_251, %swap3A_252], %mul3A_250 {strides = array<i32>} : memref<512x1xf32, #tpu.memory_space<vmem>>, vector<512x1xf32>,
    return
  }
  func.func @transform_0(%arg0: i32) -> (i32, i32) {
    %c0_i32 = arith.constant 0 : i32
    %c0_i32_0 = arith.constant 0 : i32
    return %arg0, %c0_i32 : i32, i32
  }
  func.func @transform_1(%arg0: i32) -> (i32, i32, i32) {
    %c0_i32 = arith.constant 0 : i32
    %c0_i32_0 = arith.constant 0 : i32
    %c0_i32_1 = arith.constant 0 : i32
    return %c0_i32, %arg0, %c0_i32_0 : i32, i32, i32
  }
  func.func @transform_2(%arg0: i32) -> (i32, i32) {
    %c0_i32 = arith.constant 0 : i32
    %c0_i32_0 = arith.constant 0 : i32
    %c0_i32_1 = arith.constant 0 : i32
    return %c0_i32, %c0_i32_0 : i32, i32
  }
  func.func @transform_3(%arg0: i32) -> (i32, i32) {
    %c0_i32 = arith.constant 0 : i32
    %c0_i32_0 = arith.constant 0 : i32
    %c0_i32_1 = arith.constant 0 : i32
    return %c0_i32, %c0_i32_0 : i32, i32
  }
  func.func @transform_4(%arg0: i32) -> (i32, i32) {
    %c0_i32 = arith.constant 0 : i32
    %c0_i32_0 = arith.constant 0 : i32
    %c0_i32_1 = arith.constant 0 : i32
    return %c0_i32, %c0_i32_0 : i32, i32
  }
  func.func @transform_5(%arg0: i32) -> (i32, i32) {
    %c0_i32 = arith.constant 0 : i32
    %c0_i32_0 = arith.constant 0 : i32
    %c0_i32_1 = arith.constant 0 : i32
    return %c0_i32, %c0_i32_0 : i32, i32
  }
  func.func @transform_6(%arg0: i32) -> (i32, i32) {
    %c0_i32 = arith.constant 0 : i32
    %c0_i32_0 = arith.constant 0 : i32
    %c0_i32_1 = arith.constant 0 : i32
    return %c0_i32, %c0_i32_0 : i32, i32
  }
  func.func @transform_7(%arg0: i32) -> (i32, i32) {
    %c0_i32 = arith.constant 0 : i32
    %c0_i32_0 = arith.constant 0 : i32
    %c0_i32_1 = arith.constant 0 : i32
    return %c0_i32, %c0_i32_0 : i32, i32
  }
  func.func @transform_8(%arg0: i32) -> (i32, i32) {
    %c0_i32 = arith.constant 0 : i32
    %c0_i32_0 = arith.constant 0 : i32
    %c0_i32_1 = arith.constant 0 : i32
    return %c0_i32, %c0_i32_0 : i32, i32
  }
  func.func @transform_9(%arg0: i32) -> (i32, i32) {
    %c0_i32 = arith.constant 0 : i32
    %c0_i32_0 = arith.constant 0 : i32
    return %arg0, %c0_i32 : i32, i32
  }
  func.func @transform_10(%arg0: i32) -> (i32, i32) {
    %c0_i32 = arith.constant 0 : i32
    %c0_i32_0 = arith.constant 0 : i32
    return %arg0, %c0_i32 : i32, i32
  }
  func.func @transform_11(%arg0: i32) -> (i32, i32) {
    %c0_i32 = arith.constant 0 : i32
    %c0_i32_0 = arith.constant 0 : i32
    return %arg0, %c0_i32 : i32, i32
  }
  func.func @transform_12(%arg0: i32) -> (i32, i32) {
    %c0_i32 = arith.constant 0 : i32
    %c0_i32_0 = arith.constant 0 : i32
    return %arg0, %c0_i32 : i32, i32
  }
  func.func @transform_13(%arg0: i32) -> (i32, i32) {
    %c0_i32 = arith.constant 0 : i32
    %c0_i32_0 = arith.constant 0 : i32
    return %arg0, %c0_i32 : i32, i32
  }
  func.func @transform_14(%arg0: i32) -> (i32, i32) {
    %c0_i32 = arith.constant 0 : i32
    %c0_i32_0 = arith.constant 0 : i32
    return %arg0, %c0_i32 : i32, i32
  }
  func.func @transform_15(%arg0: i32) -> (i32, i32) {
    %c0_i32 = arith.constant 0 : i32
    %c0_i32_0 = arith.constant 0 : i32
    return %arg0, %c0_i32 : i32, i32
  }
  func.func @transform_16(%arg0: i32) -> (i32, i32) {
    %c0_i32 = arith.constant 0 : i32
    %c0_i32_0 = arith.constant 0 : i32
    return %arg0, %c0_i32 : i32, i32
  }
}

module attributes {stable_mosaic.version = 14 : i64} {
  func.func @_qkv_kernel(%arg0: i32, %arg1: memref<512x768xf32, #tpu.memory_space<vmem>>, %arg2: memref<1x768xf32, #tpu.memory_space<vmem>>, %arg3: memref<1x768xf32, #tpu.memory_space<vmem>>, %arg4: memref<2304x768xf32, #tpu.memory_space<vmem>>, %arg5: memref<1x2304xf32, #tpu.memory_space<vmem>>, %arg6: memref<12x512x64xbf16, #tpu.memory_space<vmem>>, %arg7: memref<12x512x64xbf16, #tpu.memory_space<vmem>>, %arg8: memref<12x512x64xbf16, #tpu.memory_space<vmem>>) attributes {dimension_semantics = [#tpu.dimension_semantics<arbitrary>], iteration_bounds = array<i64: 4>, scalar_prefetch = 0 : i64, scratch_operands = 0 : i64, tpu.core_type = #tpu.core_type<tc>, window_params = [{transform_indices = @transform_0, window_bounds = array<i64: 512, 768>}, {pipeline_mode = #tpu.pipeline_mode<synchronous>, transform_indices = @transform_1, window_bounds = array<i64: 1, 768>}, {pipeline_mode = #tpu.pipeline_mode<synchronous>, transform_indices = @transform_2, window_bounds = array<i64: 1, 768>}, {pipeline_mode = #tpu.pipeline_mode<synchronous>, transform_indices = @transform_3, window_bounds = array<i64: 2304, 768>}, {pipeline_mode = #tpu.pipeline_mode<synchronous>, transform_indices = @transform_4, window_bounds = array<i64: 1, 2304>}, {transform_indices = @transform_5, window_bounds = array<i64: 12, 512, 64>}, {transform_indices = @transform_6, window_bounds = array<i64: 12, 512, 64>}, {transform_indices = @transform_7, window_bounds = array<i64: 12, 512, 64>}]} {
    %get3A = arith.constant 0 : index
    %get3A_0 = arith.constant 0 : index
    %get3A_1 = vector.load %arg1[%get3A, %get3A_0] : memref<512x768xf32, #tpu.memory_space<vmem>>, vector<512x768xf32>
    %get3A_2 = arith.constant 0 : index
    %get3A_3 = arith.constant 0 : index
    %get3A_4 = vector.load %arg2[%get3A_2, %get3A_3] : memref<1x768xf32, #tpu.memory_space<vmem>>, vector<1x768xf32>
    %get3A_5 = arith.constant 0 : index
    %get3A_6 = arith.constant 0 : index
    %get3A_7 = vector.load %arg3[%get3A_5, %get3A_6] : memref<1x768xf32, #tpu.memory_space<vmem>>, vector<1x768xf32>
    %reduce_sum3A = arith.constant dense<0.000000e+00> : vector<512xf32>
    %reduce_sum3A_8 = vector.multi_reduction <add>, %get3A_1, %reduce_sum3A [1] : vector<512x768xf32> to vector<512xf32>
    %broadcast_in_dim3A = vector.shape_cast %reduce_sum3A_8 : vector<512xf32> to vector<512x1xf32>
    %div3A = arith.constant 7.680000e+02 : f32
    %div3A_9 = vector.broadcast %div3A : f32 to vector<512x1xf32>
    %div3A_10 = arith.divf %broadcast_in_dim3A, %div3A_9 : vector<512x1xf32>
    %sub3A = vector.broadcast %div3A_10 : vector<512x1xf32> to vector<512x768xf32>
    %sub3A_11 = arith.subf %get3A_1, %sub3A : vector<512x768xf32>
    %integer_pow3A = arith.mulf %sub3A_11, %sub3A_11 : vector<512x768xf32>
    %reduce_sum3A_12 = arith.constant dense<0.000000e+00> : vector<512xf32>
    %reduce_sum3A_13 = vector.multi_reduction <add>, %integer_pow3A, %reduce_sum3A_12 [1] : vector<512x768xf32> to vector<512xf32>
    %broadcast_in_dim3A_14 = vector.shape_cast %reduce_sum3A_13 : vector<512xf32> to vector<512x1xf32>
    %div3A_15 = arith.constant 7.680000e+02 : f32
    %div3A_16 = vector.broadcast %div3A_15 : f32 to vector<512x1xf32>
    %div3A_17 = arith.divf %broadcast_in_dim3A_14, %div3A_16 : vector<512x1xf32>
    %sub3A_18 = vector.broadcast %div3A_10 : vector<512x1xf32> to vector<512x768xf32>
    %sub3A_19 = arith.subf %get3A_1, %sub3A_18 : vector<512x768xf32>
    %add3A = arith.constant 9.99999974E-6 : f32
    %add3A_20 = vector.broadcast %add3A : f32 to vector<512x1xf32>
    %add3A_21 = arith.addf %div3A_17, %add3A_20 : vector<512x1xf32>
    %sqrt3A = math.sqrt %add3A_21 : vector<512x1xf32>
    %div3A_22 = vector.broadcast %sqrt3A : vector<512x1xf32> to vector<512x768xf32>
    %div3A_23 = arith.divf %sub3A_19, %div3A_22 : vector<512x768xf32>
    %mul3A = vector.broadcast %get3A_4 : vector<1x768xf32> to vector<512x768xf32>
    %mul3A_24 = arith.mulf %div3A_23, %mul3A : vector<512x768xf32>
    %add3A_25 = vector.broadcast %get3A_7 : vector<1x768xf32> to vector<512x768xf32>
    %add3A_26 = arith.addf %mul3A_24, %add3A_25 : vector<512x768xf32>
    %get3A_27 = arith.constant 0 : index
    %get3A_28 = arith.constant 0 : index
    %get3A_29 = vector.load %arg4[%get3A_27, %get3A_28] : memref<2304x768xf32, #tpu.memory_space<vmem>>, vector<2304x768xf32>
    %dot_general3A = arith.constant dense<0.000000e+00> : vector<512x2304xf32>
    %dot_general3A_30 = tpu.matmul %add3A_26, %get3A_29, %dot_general3A {dimension_numbers = #tpu.dot_dimension_numbers<[1], [1], [0], [0], [0, 0, 1, 0], [], []>, transpose_lhs_hint = false} : vector<512x768xf32>, vector<2304x768xf32>, vector<512x2304xf32> -> vector<512x2304xf32>
    %get3A_31 = arith.constant 0 : index
    %get3A_32 = arith.constant 0 : index
    %get3A_33 = vector.load %arg5[%get3A_31, %get3A_32] : memref<1x2304xf32, #tpu.memory_space<vmem>>, vector<1x2304xf32>
    %add3A_34 = vector.broadcast %get3A_33 : vector<1x2304xf32> to vector<512x2304xf32>
    %add3A_35 = arith.addf %dot_general3A_30, %add3A_34 : vector<512x2304xf32>
    %convert_element_type3A = arith.truncf %add3A_35 : vector<512x2304xf32> to vector<512x2304xbf16>
    %slice3A = vector.extract_strided_slice %convert_element_type3A {offsets = [0, 0], sizes = [512, 64], strides = [1, 1]} : vector<512x2304xbf16> to vector<512x64xbf16>
    %swap3A = arith.constant 0 : index
    %swap3A_36 = arith.constant 0 : index
    %swap3A_37 = arith.constant 0 : index
    %swap3A_38 = vector.load %arg6[%swap3A, %swap3A_36, %swap3A_37] : memref<12x512x64xbf16, #tpu.memory_space<vmem>>, vector<1x512x64xbf16>
    %swap3A_39 = vector.shape_cast %swap3A_38 : vector<1x512x64xbf16> to vector<512x64xbf16>
    %swap3A_40 = vector.shape_cast %slice3A : vector<512x64xbf16> to vector<1x512x64xbf16>
    tpu.vector_store %arg6[%swap3A, %swap3A_36, %swap3A_37], %swap3A_40 {strides = array<i32>} : memref<12x512x64xbf16, #tpu.memory_space<vmem>>, vector<1x512x64xbf16>,
    %slice3A_41 = vector.extract_strided_slice %convert_element_type3A {offsets = [0, 768], sizes = [512, 64], strides = [1, 1]} : vector<512x2304xbf16> to vector<512x64xbf16>
    %swap3A_42 = arith.constant 0 : index
    %swap3A_43 = arith.constant 0 : index
    %swap3A_44 = arith.constant 0 : index
    %swap3A_45 = vector.load %arg7[%swap3A_42, %swap3A_43, %swap3A_44] : memref<12x512x64xbf16, #tpu.memory_space<vmem>>, vector<1x512x64xbf16>
    %swap3A_46 = vector.shape_cast %swap3A_45 : vector<1x512x64xbf16> to vector<512x64xbf16>
    %swap3A_47 = vector.shape_cast %slice3A_41 : vector<512x64xbf16> to vector<1x512x64xbf16>
    tpu.vector_store %arg7[%swap3A_42, %swap3A_43, %swap3A_44], %swap3A_47 {strides = array<i32>} : memref<12x512x64xbf16, #tpu.memory_space<vmem>>, vector<1x512x64xbf16>,
    %slice3A_48 = vector.extract_strided_slice %convert_element_type3A {offsets = [0, 1536], sizes = [512, 64], strides = [1, 1]} : vector<512x2304xbf16> to vector<512x64xbf16>
    %swap3A_49 = arith.constant 0 : index
    %swap3A_50 = arith.constant 0 : index
    %swap3A_51 = arith.constant 0 : index
    %swap3A_52 = vector.load %arg8[%swap3A_49, %swap3A_50, %swap3A_51] : memref<12x512x64xbf16, #tpu.memory_space<vmem>>, vector<1x512x64xbf16>
    %swap3A_53 = vector.shape_cast %swap3A_52 : vector<1x512x64xbf16> to vector<512x64xbf16>
    %swap3A_54 = vector.shape_cast %slice3A_48 : vector<512x64xbf16> to vector<1x512x64xbf16>
    tpu.vector_store %arg8[%swap3A_49, %swap3A_50, %swap3A_51], %swap3A_54 {strides = array<i32>} : memref<12x512x64xbf16, #tpu.memory_space<vmem>>, vector<1x512x64xbf16>,
    %slice3A_55 = vector.extract_strided_slice %convert_element_type3A {offsets = [0, 64], sizes = [512, 64], strides = [1, 1]} : vector<512x2304xbf16> to vector<512x64xbf16>
    %swap3A_56 = arith.constant 1 : index
    %swap3A_57 = arith.constant 0 : index
    %swap3A_58 = arith.constant 0 : index
    %swap3A_59 = vector.load %arg6[%swap3A_56, %swap3A_57, %swap3A_58] : memref<12x512x64xbf16, #tpu.memory_space<vmem>>, vector<1x512x64xbf16>
    %swap3A_60 = vector.shape_cast %swap3A_59 : vector<1x512x64xbf16> to vector<512x64xbf16>
    %swap3A_61 = vector.shape_cast %slice3A_55 : vector<512x64xbf16> to vector<1x512x64xbf16>
    tpu.vector_store %arg6[%swap3A_56, %swap3A_57, %swap3A_58], %swap3A_61 {strides = array<i32>} : memref<12x512x64xbf16, #tpu.memory_space<vmem>>, vector<1x512x64xbf16>,
    %slice3A_62 = vector.extract_strided_slice %convert_element_type3A {offsets = [0, 832], sizes = [512, 64], strides = [1, 1]} : vector<512x2304xbf16> to vector<512x64xbf16>
    %swap3A_63 = arith.constant 1 : index
    %swap3A_64 = arith.constant 0 : index
    %swap3A_65 = arith.constant 0 : index
    %swap3A_66 = vector.load %arg7[%swap3A_63, %swap3A_64, %swap3A_65] : memref<12x512x64xbf16, #tpu.memory_space<vmem>>, vector<1x512x64xbf16>
    %swap3A_67 = vector.shape_cast %swap3A_66 : vector<1x512x64xbf16> to vector<512x64xbf16>
    %swap3A_68 = vector.shape_cast %slice3A_62 : vector<512x64xbf16> to vector<1x512x64xbf16>
    tpu.vector_store %arg7[%swap3A_63, %swap3A_64, %swap3A_65], %swap3A_68 {strides = array<i32>} : memref<12x512x64xbf16, #tpu.memory_space<vmem>>, vector<1x512x64xbf16>,
    %slice3A_69 = vector.extract_strided_slice %convert_element_type3A {offsets = [0, 1600], sizes = [512, 64], strides = [1, 1]} : vector<512x2304xbf16> to vector<512x64xbf16>
    %swap3A_70 = arith.constant 1 : index
    %swap3A_71 = arith.constant 0 : index
    %swap3A_72 = arith.constant 0 : index
    %swap3A_73 = vector.load %arg8[%swap3A_70, %swap3A_71, %swap3A_72] : memref<12x512x64xbf16, #tpu.memory_space<vmem>>, vector<1x512x64xbf16>
    %swap3A_74 = vector.shape_cast %swap3A_73 : vector<1x512x64xbf16> to vector<512x64xbf16>
    %swap3A_75 = vector.shape_cast %slice3A_69 : vector<512x64xbf16> to vector<1x512x64xbf16>
    tpu.vector_store %arg8[%swap3A_70, %swap3A_71, %swap3A_72], %swap3A_75 {strides = array<i32>} : memref<12x512x64xbf16, #tpu.memory_space<vmem>>, vector<1x512x64xbf16>,
    %slice3A_76 = vector.extract_strided_slice %convert_element_type3A {offsets = [0, 128], sizes = [512, 64], strides = [1, 1]} : vector<512x2304xbf16> to vector<512x64xbf16>
    %swap3A_77 = arith.constant 2 : index
    %swap3A_78 = arith.constant 0 : index
    %swap3A_79 = arith.constant 0 : index
    %swap3A_80 = vector.load %arg6[%swap3A_77, %swap3A_78, %swap3A_79] : memref<12x512x64xbf16, #tpu.memory_space<vmem>>, vector<1x512x64xbf16>
    %swap3A_81 = vector.shape_cast %swap3A_80 : vector<1x512x64xbf16> to vector<512x64xbf16>
    %swap3A_82 = vector.shape_cast %slice3A_76 : vector<512x64xbf16> to vector<1x512x64xbf16>
    tpu.vector_store %arg6[%swap3A_77, %swap3A_78, %swap3A_79], %swap3A_82 {strides = array<i32>} : memref<12x512x64xbf16, #tpu.memory_space<vmem>>, vector<1x512x64xbf16>,
    %slice3A_83 = vector.extract_strided_slice %convert_element_type3A {offsets = [0, 896], sizes = [512, 64], strides = [1, 1]} : vector<512x2304xbf16> to vector<512x64xbf16>
    %swap3A_84 = arith.constant 2 : index
    %swap3A_85 = arith.constant 0 : index
    %swap3A_86 = arith.constant 0 : index
    %swap3A_87 = vector.load %arg7[%swap3A_84, %swap3A_85, %swap3A_86] : memref<12x512x64xbf16, #tpu.memory_space<vmem>>, vector<1x512x64xbf16>
    %swap3A_88 = vector.shape_cast %swap3A_87 : vector<1x512x64xbf16> to vector<512x64xbf16>
    %swap3A_89 = vector.shape_cast %slice3A_83 : vector<512x64xbf16> to vector<1x512x64xbf16>
    tpu.vector_store %arg7[%swap3A_84, %swap3A_85, %swap3A_86], %swap3A_89 {strides = array<i32>} : memref<12x512x64xbf16, #tpu.memory_space<vmem>>, vector<1x512x64xbf16>,
    %slice3A_90 = vector.extract_strided_slice %convert_element_type3A {offsets = [0, 1664], sizes = [512, 64], strides = [1, 1]} : vector<512x2304xbf16> to vector<512x64xbf16>
    %swap3A_91 = arith.constant 2 : index
    %swap3A_92 = arith.constant 0 : index
    %swap3A_93 = arith.constant 0 : index
    %swap3A_94 = vector.load %arg8[%swap3A_91, %swap3A_92, %swap3A_93] : memref<12x512x64xbf16, #tpu.memory_space<vmem>>, vector<1x512x64xbf16>
    %swap3A_95 = vector.shape_cast %swap3A_94 : vector<1x512x64xbf16> to vector<512x64xbf16>
    %swap3A_96 = vector.shape_cast %slice3A_90 : vector<512x64xbf16> to vector<1x512x64xbf16>
    tpu.vector_store %arg8[%swap3A_91, %swap3A_92, %swap3A_93], %swap3A_96 {strides = array<i32>} : memref<12x512x64xbf16, #tpu.memory_space<vmem>>, vector<1x512x64xbf16>,
    %slice3A_97 = vector.extract_strided_slice %convert_element_type3A {offsets = [0, 192], sizes = [512, 64], strides = [1, 1]} : vector<512x2304xbf16> to vector<512x64xbf16>
    %swap3A_98 = arith.constant 3 : index
    %swap3A_99 = arith.constant 0 : index
    %swap3A_100 = arith.constant 0 : index
    %swap3A_101 = vector.load %arg6[%swap3A_98, %swap3A_99, %swap3A_100] : memref<12x512x64xbf16, #tpu.memory_space<vmem>>, vector<1x512x64xbf16>
    %swap3A_102 = vector.shape_cast %swap3A_101 : vector<1x512x64xbf16> to vector<512x64xbf16>
    %swap3A_103 = vector.shape_cast %slice3A_97 : vector<512x64xbf16> to vector<1x512x64xbf16>
    tpu.vector_store %arg6[%swap3A_98, %swap3A_99, %swap3A_100], %swap3A_103 {strides = array<i32>} : memref<12x512x64xbf16, #tpu.memory_space<vmem>>, vector<1x512x64xbf16>,
    %slice3A_104 = vector.extract_strided_slice %convert_element_type3A {offsets = [0, 960], sizes = [512, 64], strides = [1, 1]} : vector<512x2304xbf16> to vector<512x64xbf16>
    %swap3A_105 = arith.constant 3 : index
    %swap3A_106 = arith.constant 0 : index
    %swap3A_107 = arith.constant 0 : index
    %swap3A_108 = vector.load %arg7[%swap3A_105, %swap3A_106, %swap3A_107] : memref<12x512x64xbf16, #tpu.memory_space<vmem>>, vector<1x512x64xbf16>
    %swap3A_109 = vector.shape_cast %swap3A_108 : vector<1x512x64xbf16> to vector<512x64xbf16>
    %swap3A_110 = vector.shape_cast %slice3A_104 : vector<512x64xbf16> to vector<1x512x64xbf16>
    tpu.vector_store %arg7[%swap3A_105, %swap3A_106, %swap3A_107], %swap3A_110 {strides = array<i32>} : memref<12x512x64xbf16, #tpu.memory_space<vmem>>, vector<1x512x64xbf16>,
    %slice3A_111 = vector.extract_strided_slice %convert_element_type3A {offsets = [0, 1728], sizes = [512, 64], strides = [1, 1]} : vector<512x2304xbf16> to vector<512x64xbf16>
    %swap3A_112 = arith.constant 3 : index
    %swap3A_113 = arith.constant 0 : index
    %swap3A_114 = arith.constant 0 : index
    %swap3A_115 = vector.load %arg8[%swap3A_112, %swap3A_113, %swap3A_114] : memref<12x512x64xbf16, #tpu.memory_space<vmem>>, vector<1x512x64xbf16>
    %swap3A_116 = vector.shape_cast %swap3A_115 : vector<1x512x64xbf16> to vector<512x64xbf16>
    %swap3A_117 = vector.shape_cast %slice3A_111 : vector<512x64xbf16> to vector<1x512x64xbf16>
    tpu.vector_store %arg8[%swap3A_112, %swap3A_113, %swap3A_114], %swap3A_117 {strides = array<i32>} : memref<12x512x64xbf16, #tpu.memory_space<vmem>>, vector<1x512x64xbf16>,
    %slice3A_118 = vector.extract_strided_slice %convert_element_type3A {offsets = [0, 256], sizes = [512, 64], strides = [1, 1]} : vector<512x2304xbf16> to vector<512x64xbf16>
    %swap3A_119 = arith.constant 4 : index
    %swap3A_120 = arith.constant 0 : index
    %swap3A_121 = arith.constant 0 : index
    %swap3A_122 = vector.load %arg6[%swap3A_119, %swap3A_120, %swap3A_121] : memref<12x512x64xbf16, #tpu.memory_space<vmem>>, vector<1x512x64xbf16>
    %swap3A_123 = vector.shape_cast %swap3A_122 : vector<1x512x64xbf16> to vector<512x64xbf16>
    %swap3A_124 = vector.shape_cast %slice3A_118 : vector<512x64xbf16> to vector<1x512x64xbf16>
    tpu.vector_store %arg6[%swap3A_119, %swap3A_120, %swap3A_121], %swap3A_124 {strides = array<i32>} : memref<12x512x64xbf16, #tpu.memory_space<vmem>>, vector<1x512x64xbf16>,
    %slice3A_125 = vector.extract_strided_slice %convert_element_type3A {offsets = [0, 1024], sizes = [512, 64], strides = [1, 1]} : vector<512x2304xbf16> to vector<512x64xbf16>
    %swap3A_126 = arith.constant 4 : index
    %swap3A_127 = arith.constant 0 : index
    %swap3A_128 = arith.constant 0 : index
    %swap3A_129 = vector.load %arg7[%swap3A_126, %swap3A_127, %swap3A_128] : memref<12x512x64xbf16, #tpu.memory_space<vmem>>, vector<1x512x64xbf16>
    %swap3A_130 = vector.shape_cast %swap3A_129 : vector<1x512x64xbf16> to vector<512x64xbf16>
    %swap3A_131 = vector.shape_cast %slice3A_125 : vector<512x64xbf16> to vector<1x512x64xbf16>
    tpu.vector_store %arg7[%swap3A_126, %swap3A_127, %swap3A_128], %swap3A_131 {strides = array<i32>} : memref<12x512x64xbf16, #tpu.memory_space<vmem>>, vector<1x512x64xbf16>,
    %slice3A_132 = vector.extract_strided_slice %convert_element_type3A {offsets = [0, 1792], sizes = [512, 64], strides = [1, 1]} : vector<512x2304xbf16> to vector<512x64xbf16>
    %swap3A_133 = arith.constant 4 : index
    %swap3A_134 = arith.constant 0 : index
    %swap3A_135 = arith.constant 0 : index
    %swap3A_136 = vector.load %arg8[%swap3A_133, %swap3A_134, %swap3A_135] : memref<12x512x64xbf16, #tpu.memory_space<vmem>>, vector<1x512x64xbf16>
    %swap3A_137 = vector.shape_cast %swap3A_136 : vector<1x512x64xbf16> to vector<512x64xbf16>
    %swap3A_138 = vector.shape_cast %slice3A_132 : vector<512x64xbf16> to vector<1x512x64xbf16>
    tpu.vector_store %arg8[%swap3A_133, %swap3A_134, %swap3A_135], %swap3A_138 {strides = array<i32>} : memref<12x512x64xbf16, #tpu.memory_space<vmem>>, vector<1x512x64xbf16>,
    %slice3A_139 = vector.extract_strided_slice %convert_element_type3A {offsets = [0, 320], sizes = [512, 64], strides = [1, 1]} : vector<512x2304xbf16> to vector<512x64xbf16>
    %swap3A_140 = arith.constant 5 : index
    %swap3A_141 = arith.constant 0 : index
    %swap3A_142 = arith.constant 0 : index
    %swap3A_143 = vector.load %arg6[%swap3A_140, %swap3A_141, %swap3A_142] : memref<12x512x64xbf16, #tpu.memory_space<vmem>>, vector<1x512x64xbf16>
    %swap3A_144 = vector.shape_cast %swap3A_143 : vector<1x512x64xbf16> to vector<512x64xbf16>
    %swap3A_145 = vector.shape_cast %slice3A_139 : vector<512x64xbf16> to vector<1x512x64xbf16>
    tpu.vector_store %arg6[%swap3A_140, %swap3A_141, %swap3A_142], %swap3A_145 {strides = array<i32>} : memref<12x512x64xbf16, #tpu.memory_space<vmem>>, vector<1x512x64xbf16>,
    %slice3A_146 = vector.extract_strided_slice %convert_element_type3A {offsets = [0, 1088], sizes = [512, 64], strides = [1, 1]} : vector<512x2304xbf16> to vector<512x64xbf16>
    %swap3A_147 = arith.constant 5 : index
    %swap3A_148 = arith.constant 0 : index
    %swap3A_149 = arith.constant 0 : index
    %swap3A_150 = vector.load %arg7[%swap3A_147, %swap3A_148, %swap3A_149] : memref<12x512x64xbf16, #tpu.memory_space<vmem>>, vector<1x512x64xbf16>
    %swap3A_151 = vector.shape_cast %swap3A_150 : vector<1x512x64xbf16> to vector<512x64xbf16>
    %swap3A_152 = vector.shape_cast %slice3A_146 : vector<512x64xbf16> to vector<1x512x64xbf16>
    tpu.vector_store %arg7[%swap3A_147, %swap3A_148, %swap3A_149], %swap3A_152 {strides = array<i32>} : memref<12x512x64xbf16, #tpu.memory_space<vmem>>, vector<1x512x64xbf16>,
    %slice3A_153 = vector.extract_strided_slice %convert_element_type3A {offsets = [0, 1856], sizes = [512, 64], strides = [1, 1]} : vector<512x2304xbf16> to vector<512x64xbf16>
    %swap3A_154 = arith.constant 5 : index
    %swap3A_155 = arith.constant 0 : index
    %swap3A_156 = arith.constant 0 : index
    %swap3A_157 = vector.load %arg8[%swap3A_154, %swap3A_155, %swap3A_156] : memref<12x512x64xbf16, #tpu.memory_space<vmem>>, vector<1x512x64xbf16>
    %swap3A_158 = vector.shape_cast %swap3A_157 : vector<1x512x64xbf16> to vector<512x64xbf16>
    %swap3A_159 = vector.shape_cast %slice3A_153 : vector<512x64xbf16> to vector<1x512x64xbf16>
    tpu.vector_store %arg8[%swap3A_154, %swap3A_155, %swap3A_156], %swap3A_159 {strides = array<i32>} : memref<12x512x64xbf16, #tpu.memory_space<vmem>>, vector<1x512x64xbf16>,
    %slice3A_160 = vector.extract_strided_slice %convert_element_type3A {offsets = [0, 384], sizes = [512, 64], strides = [1, 1]} : vector<512x2304xbf16> to vector<512x64xbf16>
    %swap3A_161 = arith.constant 6 : index
    %swap3A_162 = arith.constant 0 : index
    %swap3A_163 = arith.constant 0 : index
    %swap3A_164 = vector.load %arg6[%swap3A_161, %swap3A_162, %swap3A_163] : memref<12x512x64xbf16, #tpu.memory_space<vmem>>, vector<1x512x64xbf16>
    %swap3A_165 = vector.shape_cast %swap3A_164 : vector<1x512x64xbf16> to vector<512x64xbf16>
    %swap3A_166 = vector.shape_cast %slice3A_160 : vector<512x64xbf16> to vector<1x512x64xbf16>
    tpu.vector_store %arg6[%swap3A_161, %swap3A_162, %swap3A_163], %swap3A_166 {strides = array<i32>} : memref<12x512x64xbf16, #tpu.memory_space<vmem>>, vector<1x512x64xbf16>,
    %slice3A_167 = vector.extract_strided_slice %convert_element_type3A {offsets = [0, 1152], sizes = [512, 64], strides = [1, 1]} : vector<512x2304xbf16> to vector<512x64xbf16>
    %swap3A_168 = arith.constant 6 : index
    %swap3A_169 = arith.constant 0 : index
    %swap3A_170 = arith.constant 0 : index
    %swap3A_171 = vector.load %arg7[%swap3A_168, %swap3A_169, %swap3A_170] : memref<12x512x64xbf16, #tpu.memory_space<vmem>>, vector<1x512x64xbf16>
    %swap3A_172 = vector.shape_cast %swap3A_171 : vector<1x512x64xbf16> to vector<512x64xbf16>
    %swap3A_173 = vector.shape_cast %slice3A_167 : vector<512x64xbf16> to vector<1x512x64xbf16>
    tpu.vector_store %arg7[%swap3A_168, %swap3A_169, %swap3A_170], %swap3A_173 {strides = array<i32>} : memref<12x512x64xbf16, #tpu.memory_space<vmem>>, vector<1x512x64xbf16>,
    %slice3A_174 = vector.extract_strided_slice %convert_element_type3A {offsets = [0, 1920], sizes = [512, 64], strides = [1, 1]} : vector<512x2304xbf16> to vector<512x64xbf16>
    %swap3A_175 = arith.constant 6 : index
    %swap3A_176 = arith.constant 0 : index
    %swap3A_177 = arith.constant 0 : index
    %swap3A_178 = vector.load %arg8[%swap3A_175, %swap3A_176, %swap3A_177] : memref<12x512x64xbf16, #tpu.memory_space<vmem>>, vector<1x512x64xbf16>
    %swap3A_179 = vector.shape_cast %swap3A_178 : vector<1x512x64xbf16> to vector<512x64xbf16>
    %swap3A_180 = vector.shape_cast %slice3A_174 : vector<512x64xbf16> to vector<1x512x64xbf16>
    tpu.vector_store %arg8[%swap3A_175, %swap3A_176, %swap3A_177], %swap3A_180 {strides = array<i32>} : memref<12x512x64xbf16, #tpu.memory_space<vmem>>, vector<1x512x64xbf16>,
    %slice3A_181 = vector.extract_strided_slice %convert_element_type3A {offsets = [0, 448], sizes = [512, 64], strides = [1, 1]} : vector<512x2304xbf16> to vector<512x64xbf16>
    %swap3A_182 = arith.constant 7 : index
    %swap3A_183 = arith.constant 0 : index
    %swap3A_184 = arith.constant 0 : index
    %swap3A_185 = vector.load %arg6[%swap3A_182, %swap3A_183, %swap3A_184] : memref<12x512x64xbf16, #tpu.memory_space<vmem>>, vector<1x512x64xbf16>
    %swap3A_186 = vector.shape_cast %swap3A_185 : vector<1x512x64xbf16> to vector<512x64xbf16>
    %swap3A_187 = vector.shape_cast %slice3A_181 : vector<512x64xbf16> to vector<1x512x64xbf16>
    tpu.vector_store %arg6[%swap3A_182, %swap3A_183, %swap3A_184], %swap3A_187 {strides = array<i32>} : memref<12x512x64xbf16, #tpu.memory_space<vmem>>, vector<1x512x64xbf16>,
    %slice3A_188 = vector.extract_strided_slice %convert_element_type3A {offsets = [0, 1216], sizes = [512, 64], strides = [1, 1]} : vector<512x2304xbf16> to vector<512x64xbf16>
    %swap3A_189 = arith.constant 7 : index
    %swap3A_190 = arith.constant 0 : index
    %swap3A_191 = arith.constant 0 : index
    %swap3A_192 = vector.load %arg7[%swap3A_189, %swap3A_190, %swap3A_191] : memref<12x512x64xbf16, #tpu.memory_space<vmem>>, vector<1x512x64xbf16>
    %swap3A_193 = vector.shape_cast %swap3A_192 : vector<1x512x64xbf16> to vector<512x64xbf16>
    %swap3A_194 = vector.shape_cast %slice3A_188 : vector<512x64xbf16> to vector<1x512x64xbf16>
    tpu.vector_store %arg7[%swap3A_189, %swap3A_190, %swap3A_191], %swap3A_194 {strides = array<i32>} : memref<12x512x64xbf16, #tpu.memory_space<vmem>>, vector<1x512x64xbf16>,
    %slice3A_195 = vector.extract_strided_slice %convert_element_type3A {offsets = [0, 1984], sizes = [512, 64], strides = [1, 1]} : vector<512x2304xbf16> to vector<512x64xbf16>
    %swap3A_196 = arith.constant 7 : index
    %swap3A_197 = arith.constant 0 : index
    %swap3A_198 = arith.constant 0 : index
    %swap3A_199 = vector.load %arg8[%swap3A_196, %swap3A_197, %swap3A_198] : memref<12x512x64xbf16, #tpu.memory_space<vmem>>, vector<1x512x64xbf16>
    %swap3A_200 = vector.shape_cast %swap3A_199 : vector<1x512x64xbf16> to vector<512x64xbf16>
    %swap3A_201 = vector.shape_cast %slice3A_195 : vector<512x64xbf16> to vector<1x512x64xbf16>
    tpu.vector_store %arg8[%swap3A_196, %swap3A_197, %swap3A_198], %swap3A_201 {strides = array<i32>} : memref<12x512x64xbf16, #tpu.memory_space<vmem>>, vector<1x512x64xbf16>,
    %slice3A_202 = vector.extract_strided_slice %convert_element_type3A {offsets = [0, 512], sizes = [512, 64], strides = [1, 1]} : vector<512x2304xbf16> to vector<512x64xbf16>
    %swap3A_203 = arith.constant 8 : index
    %swap3A_204 = arith.constant 0 : index
    %swap3A_205 = arith.constant 0 : index
    %swap3A_206 = vector.load %arg6[%swap3A_203, %swap3A_204, %swap3A_205] : memref<12x512x64xbf16, #tpu.memory_space<vmem>>, vector<1x512x64xbf16>
    %swap3A_207 = vector.shape_cast %swap3A_206 : vector<1x512x64xbf16> to vector<512x64xbf16>
    %swap3A_208 = vector.shape_cast %slice3A_202 : vector<512x64xbf16> to vector<1x512x64xbf16>
    tpu.vector_store %arg6[%swap3A_203, %swap3A_204, %swap3A_205], %swap3A_208 {strides = array<i32>} : memref<12x512x64xbf16, #tpu.memory_space<vmem>>, vector<1x512x64xbf16>,
    %slice3A_209 = vector.extract_strided_slice %convert_element_type3A {offsets = [0, 1280], sizes = [512, 64], strides = [1, 1]} : vector<512x2304xbf16> to vector<512x64xbf16>
    %swap3A_210 = arith.constant 8 : index
    %swap3A_211 = arith.constant 0 : index
    %swap3A_212 = arith.constant 0 : index
    %swap3A_213 = vector.load %arg7[%swap3A_210, %swap3A_211, %swap3A_212] : memref<12x512x64xbf16, #tpu.memory_space<vmem>>, vector<1x512x64xbf16>
    %swap3A_214 = vector.shape_cast %swap3A_213 : vector<1x512x64xbf16> to vector<512x64xbf16>
    %swap3A_215 = vector.shape_cast %slice3A_209 : vector<512x64xbf16> to vector<1x512x64xbf16>
    tpu.vector_store %arg7[%swap3A_210, %swap3A_211, %swap3A_212], %swap3A_215 {strides = array<i32>} : memref<12x512x64xbf16, #tpu.memory_space<vmem>>, vector<1x512x64xbf16>,
    %slice3A_216 = vector.extract_strided_slice %convert_element_type3A {offsets = [0, 2048], sizes = [512, 64], strides = [1, 1]} : vector<512x2304xbf16> to vector<512x64xbf16>
    %swap3A_217 = arith.constant 8 : index
    %swap3A_218 = arith.constant 0 : index
    %swap3A_219 = arith.constant 0 : index
    %swap3A_220 = vector.load %arg8[%swap3A_217, %swap3A_218, %swap3A_219] : memref<12x512x64xbf16, #tpu.memory_space<vmem>>, vector<1x512x64xbf16>
    %swap3A_221 = vector.shape_cast %swap3A_220 : vector<1x512x64xbf16> to vector<512x64xbf16>
    %swap3A_222 = vector.shape_cast %slice3A_216 : vector<512x64xbf16> to vector<1x512x64xbf16>
    tpu.vector_store %arg8[%swap3A_217, %swap3A_218, %swap3A_219], %swap3A_222 {strides = array<i32>} : memref<12x512x64xbf16, #tpu.memory_space<vmem>>, vector<1x512x64xbf16>,
    %slice3A_223 = vector.extract_strided_slice %convert_element_type3A {offsets = [0, 576], sizes = [512, 64], strides = [1, 1]} : vector<512x2304xbf16> to vector<512x64xbf16>
    %swap3A_224 = arith.constant 9 : index
    %swap3A_225 = arith.constant 0 : index
    %swap3A_226 = arith.constant 0 : index
    %swap3A_227 = vector.load %arg6[%swap3A_224, %swap3A_225, %swap3A_226] : memref<12x512x64xbf16, #tpu.memory_space<vmem>>, vector<1x512x64xbf16>
    %swap3A_228 = vector.shape_cast %swap3A_227 : vector<1x512x64xbf16> to vector<512x64xbf16>
    %swap3A_229 = vector.shape_cast %slice3A_223 : vector<512x64xbf16> to vector<1x512x64xbf16>
    tpu.vector_store %arg6[%swap3A_224, %swap3A_225, %swap3A_226], %swap3A_229 {strides = array<i32>} : memref<12x512x64xbf16, #tpu.memory_space<vmem>>, vector<1x512x64xbf16>,
    %slice3A_230 = vector.extract_strided_slice %convert_element_type3A {offsets = [0, 1344], sizes = [512, 64], strides = [1, 1]} : vector<512x2304xbf16> to vector<512x64xbf16>
    %swap3A_231 = arith.constant 9 : index
    %swap3A_232 = arith.constant 0 : index
    %swap3A_233 = arith.constant 0 : index
    %swap3A_234 = vector.load %arg7[%swap3A_231, %swap3A_232, %swap3A_233] : memref<12x512x64xbf16, #tpu.memory_space<vmem>>, vector<1x512x64xbf16>
    %swap3A_235 = vector.shape_cast %swap3A_234 : vector<1x512x64xbf16> to vector<512x64xbf16>
    %swap3A_236 = vector.shape_cast %slice3A_230 : vector<512x64xbf16> to vector<1x512x64xbf16>
    tpu.vector_store %arg7[%swap3A_231, %swap3A_232, %swap3A_233], %swap3A_236 {strides = array<i32>} : memref<12x512x64xbf16, #tpu.memory_space<vmem>>, vector<1x512x64xbf16>,
    %slice3A_237 = vector.extract_strided_slice %convert_element_type3A {offsets = [0, 2112], sizes = [512, 64], strides = [1, 1]} : vector<512x2304xbf16> to vector<512x64xbf16>
    %swap3A_238 = arith.constant 9 : index
    %swap3A_239 = arith.constant 0 : index
    %swap3A_240 = arith.constant 0 : index
    %swap3A_241 = vector.load %arg8[%swap3A_238, %swap3A_239, %swap3A_240] : memref<12x512x64xbf16, #tpu.memory_space<vmem>>, vector<1x512x64xbf16>
    %swap3A_242 = vector.shape_cast %swap3A_241 : vector<1x512x64xbf16> to vector<512x64xbf16>
    %swap3A_243 = vector.shape_cast %slice3A_237 : vector<512x64xbf16> to vector<1x512x64xbf16>
    tpu.vector_store %arg8[%swap3A_238, %swap3A_239, %swap3A_240], %swap3A_243 {strides = array<i32>} : memref<12x512x64xbf16, #tpu.memory_space<vmem>>, vector<1x512x64xbf16>,
    %slice3A_244 = vector.extract_strided_slice %convert_element_type3A {offsets = [0, 640], sizes = [512, 64], strides = [1, 1]} : vector<512x2304xbf16> to vector<512x64xbf16>
    %swap3A_245 = arith.constant 10 : index
    %swap3A_246 = arith.constant 0 : index
    %swap3A_247 = arith.constant 0 : index
    %swap3A_248 = vector.load %arg6[%swap3A_245, %swap3A_246, %swap3A_247] : memref<12x512x64xbf16, #tpu.memory_space<vmem>>, vector<1x512x64xbf16>
    %swap3A_249 = vector.shape_cast %swap3A_248 : vector<1x512x64xbf16> to vector<512x64xbf16>
    %swap3A_250 = vector.shape_cast %slice3A_244 : vector<512x64xbf16> to vector<1x512x64xbf16>
    tpu.vector_store %arg6[%swap3A_245, %swap3A_246, %swap3A_247], %swap3A_250 {strides = array<i32>} : memref<12x512x64xbf16, #tpu.memory_space<vmem>>, vector<1x512x64xbf16>,
    %slice3A_251 = vector.extract_strided_slice %convert_element_type3A {offsets = [0, 1408], sizes = [512, 64], strides = [1, 1]} : vector<512x2304xbf16> to vector<512x64xbf16>
    %swap3A_252 = arith.constant 10 : index
    %swap3A_253 = arith.constant 0 : index
    %swap3A_254 = arith.constant 0 : index
    %swap3A_255 = vector.load %arg7[%swap3A_252, %swap3A_253, %swap3A_254] : memref<12x512x64xbf16, #tpu.memory_space<vmem>>, vector<1x512x64xbf16>
    %swap3A_256 = vector.shape_cast %swap3A_255 : vector<1x512x64xbf16> to vector<512x64xbf16>
    %swap3A_257 = vector.shape_cast %slice3A_251 : vector<512x64xbf16> to vector<1x512x64xbf16>
    tpu.vector_store %arg7[%swap3A_252, %swap3A_253, %swap3A_254], %swap3A_257 {strides = array<i32>} : memref<12x512x64xbf16, #tpu.memory_space<vmem>>, vector<1x512x64xbf16>,
    %slice3A_258 = vector.extract_strided_slice %convert_element_type3A {offsets = [0, 2176], sizes = [512, 64], strides = [1, 1]} : vector<512x2304xbf16> to vector<512x64xbf16>
    %swap3A_259 = arith.constant 10 : index
    %swap3A_260 = arith.constant 0 : index
    %swap3A_261 = arith.constant 0 : index
    %swap3A_262 = vector.load %arg8[%swap3A_259, %swap3A_260, %swap3A_261] : memref<12x512x64xbf16, #tpu.memory_space<vmem>>, vector<1x512x64xbf16>
    %swap3A_263 = vector.shape_cast %swap3A_262 : vector<1x512x64xbf16> to vector<512x64xbf16>
    %swap3A_264 = vector.shape_cast %slice3A_258 : vector<512x64xbf16> to vector<1x512x64xbf16>
    tpu.vector_store %arg8[%swap3A_259, %swap3A_260, %swap3A_261], %swap3A_264 {strides = array<i32>} : memref<12x512x64xbf16, #tpu.memory_space<vmem>>, vector<1x512x64xbf16>,
    %slice3A_265 = vector.extract_strided_slice %convert_element_type3A {offsets = [0, 704], sizes = [512, 64], strides = [1, 1]} : vector<512x2304xbf16> to vector<512x64xbf16>
    %swap3A_266 = arith.constant 11 : index
    %swap3A_267 = arith.constant 0 : index
    %swap3A_268 = arith.constant 0 : index
    %swap3A_269 = vector.load %arg6[%swap3A_266, %swap3A_267, %swap3A_268] : memref<12x512x64xbf16, #tpu.memory_space<vmem>>, vector<1x512x64xbf16>
    %swap3A_270 = vector.shape_cast %swap3A_269 : vector<1x512x64xbf16> to vector<512x64xbf16>
    %swap3A_271 = vector.shape_cast %slice3A_265 : vector<512x64xbf16> to vector<1x512x64xbf16>
    tpu.vector_store %arg6[%swap3A_266, %swap3A_267, %swap3A_268], %swap3A_271 {strides = array<i32>} : memref<12x512x64xbf16, #tpu.memory_space<vmem>>, vector<1x512x64xbf16>,
    %slice3A_272 = vector.extract_strided_slice %convert_element_type3A {offsets = [0, 1472], sizes = [512, 64], strides = [1, 1]} : vector<512x2304xbf16> to vector<512x64xbf16>
    %swap3A_273 = arith.constant 11 : index
    %swap3A_274 = arith.constant 0 : index
    %swap3A_275 = arith.constant 0 : index
    %swap3A_276 = vector.load %arg7[%swap3A_273, %swap3A_274, %swap3A_275] : memref<12x512x64xbf16, #tpu.memory_space<vmem>>, vector<1x512x64xbf16>
    %swap3A_277 = vector.shape_cast %swap3A_276 : vector<1x512x64xbf16> to vector<512x64xbf16>
    %swap3A_278 = vector.shape_cast %slice3A_272 : vector<512x64xbf16> to vector<1x512x64xbf16>
    tpu.vector_store %arg7[%swap3A_273, %swap3A_274, %swap3A_275], %swap3A_278 {strides = array<i32>} : memref<12x512x64xbf16, #tpu.memory_space<vmem>>, vector<1x512x64xbf16>,
    %slice3A_279 = vector.extract_strided_slice %convert_element_type3A {offsets = [0, 2240], sizes = [512, 64], strides = [1, 1]} : vector<512x2304xbf16> to vector<512x64xbf16>
    %swap3A_280 = arith.constant 11 : index
    %swap3A_281 = arith.constant 0 : index
    %swap3A_282 = arith.constant 0 : index
    %swap3A_283 = vector.load %arg8[%swap3A_280, %swap3A_281, %swap3A_282] : memref<12x512x64xbf16, #tpu.memory_space<vmem>>, vector<1x512x64xbf16>
    %swap3A_284 = vector.shape_cast %swap3A_283 : vector<1x512x64xbf16> to vector<512x64xbf16>
    %swap3A_285 = vector.shape_cast %slice3A_279 : vector<512x64xbf16> to vector<1x512x64xbf16>
    tpu.vector_store %arg8[%swap3A_280, %swap3A_281, %swap3A_282], %swap3A_285 {strides = array<i32>} : memref<12x512x64xbf16, #tpu.memory_space<vmem>>, vector<1x512x64xbf16>,
    return
  }
  func.func @transform_0(%arg0: i32) -> (i32, i32) {
    %c0_i32 = arith.constant 0 : i32
    %c0_i32_0 = arith.constant 0 : i32
    return %arg0, %c0_i32 : i32, i32
  }
  func.func @transform_1(%arg0: i32) -> (i32, i32) {
    %c0_i32 = arith.constant 0 : i32
    %c0_i32_0 = arith.constant 0 : i32
    %c0_i32_1 = arith.constant 0 : i32
    return %c0_i32, %c0_i32_0 : i32, i32
  }
  func.func @transform_2(%arg0: i32) -> (i32, i32) {
    %c0_i32 = arith.constant 0 : i32
    %c0_i32_0 = arith.constant 0 : i32
    %c0_i32_1 = arith.constant 0 : i32
    return %c0_i32, %c0_i32_0 : i32, i32
  }
  func.func @transform_3(%arg0: i32) -> (i32, i32) {
    %c0_i32 = arith.constant 0 : i32
    %c0_i32_0 = arith.constant 0 : i32
    %c0_i32_1 = arith.constant 0 : i32
    return %c0_i32, %c0_i32_0 : i32, i32
  }
  func.func @transform_4(%arg0: i32) -> (i32, i32) {
    %c0_i32 = arith.constant 0 : i32
    %c0_i32_0 = arith.constant 0 : i32
    %c0_i32_1 = arith.constant 0 : i32
    return %c0_i32, %c0_i32_0 : i32, i32
  }
  func.func @transform_5(%arg0: i32) -> (i32, i32, i32) {
    %c0_i32 = arith.constant 0 : i32
    %c0_i32_0 = arith.constant 0 : i32
    %c0_i32_1 = arith.constant 0 : i32
    return %c0_i32, %arg0, %c0_i32_0 : i32, i32, i32
  }
  func.func @transform_6(%arg0: i32) -> (i32, i32, i32) {
    %c0_i32 = arith.constant 0 : i32
    %c0_i32_0 = arith.constant 0 : i32
    %c0_i32_1 = arith.constant 0 : i32
    return %c0_i32, %arg0, %c0_i32_0 : i32, i32, i32
  }
  func.func @transform_7(%arg0: i32) -> (i32, i32, i32) {
    %c0_i32 = arith.constant 0 : i32
    %c0_i32_0 = arith.constant 0 : i32
    %c0_i32_1 = arith.constant 0 : i32
    return %c0_i32, %arg0, %c0_i32_0 : i32, i32, i32
  }
}

module attributes {stable_mosaic.version = 14 : i64} {
  func.func @_ffn_kernel(%arg0: i32, %arg1: memref<256x768xf32, #tpu.memory_space<vmem>>, %arg2: memref<2x768x768xf32, #tpu.memory_space<vmem>>, %arg3: memref<2x1x768xf32, #tpu.memory_space<vmem>>, %arg4: memref<2x768x768xf32, #tpu.memory_space<vmem>>, %arg5: memref<2x1x768xf32, #tpu.memory_space<vmem>>, %arg6: memref<256x768xf32, #tpu.memory_space<vmem>>) attributes {dimension_semantics = [#tpu.dimension_semantics<arbitrary>], iteration_bounds = array<i64: 32>, scalar_prefetch = 0 : i64, scratch_operands = 0 : i64, tpu.core_type = #tpu.core_type<tc>, window_params = [{transform_indices = @transform_0, window_bounds = array<i64: 256, 768>}, {transform_indices = @transform_1, window_bounds = array<i64: 2, 768, 768>}, {transform_indices = @transform_2, window_bounds = array<i64: 2, 1, 768>}, {transform_indices = @transform_3, window_bounds = array<i64: 2, 768, 768>}, {transform_indices = @transform_4, window_bounds = array<i64: 2, 1, 768>}, {transform_indices = @transform_5, window_bounds = array<i64: 256, 768>}]} {
    %get3A = arith.constant 0 : index
    %get3A_0 = arith.constant 0 : index
    %get3A_1 = vector.load %arg1[%get3A, %get3A_0] : memref<256x768xf32, #tpu.memory_space<vmem>>, vector<128x768xf32>
    %get3A_2 = arith.constant 0 : index
    %get3A_3 = arith.constant 0 : index
    %get3A_4 = arith.constant 0 : index
    %get3A_5 = vector.load %arg2[%get3A_2, %get3A_3, %get3A_4] : memref<2x768x768xf32, #tpu.memory_space<vmem>>, vector<1x768x768xf32>
    %get3A_6 = vector.shape_cast %get3A_5 : vector<1x768x768xf32> to vector<768x768xf32>
    %dot_general3A = arith.constant dense<0.000000e+00> : vector<128x768xf32>
    %dot_general3A_7 = tpu.matmul %get3A_1, %get3A_6, %dot_general3A {dimension_numbers = #tpu.dot_dimension_numbers<[1], [0], [0], [1], [0, 0, 1, 1], [], []>, transpose_lhs_hint = false} : vector<128x768xf32>, vector<768x768xf32>, vector<128x768xf32> -> vector<128x768xf32>
    %get3A_8 = arith.constant 0 : index
    %get3A_9 = arith.constant 0 : index
    %get3A_10 = arith.constant 0 : index
    %get3A_11 = vector.load %arg3[%get3A_8, %get3A_9, %get3A_10] : memref<2x1x768xf32, #tpu.memory_space<vmem>>, vector<1x1x768xf32>
    %get3A_12 = vector.shape_cast %get3A_11 : vector<1x1x768xf32> to vector<1x768xf32>
    %add3A = vector.broadcast %get3A_12 : vector<1x768xf32> to vector<128x768xf32>
    %add3A_13 = arith.addf %dot_general3A_7, %add3A : vector<128x768xf32>
    %integer_pow3A = arith.mulf %add3A_13, %add3A_13 : vector<128x768xf32>
    %integer_pow3A_14 = arith.mulf %add3A_13, %integer_pow3A : vector<128x768xf32>
    %mul3A = arith.constant 4.471500e-02 : f32
    %mul3A_15 = vector.broadcast %mul3A : f32 to vector<128x768xf32>
    %mul3A_16 = arith.mulf %mul3A_15, %integer_pow3A_14 : vector<128x768xf32>
    %add3A_17 = arith.addf %add3A_13, %mul3A_16 : vector<128x768xf32>
    %mul3A_18 = arith.constant 0.797884583 : f32
    %mul3A_19 = vector.broadcast %mul3A_18 : f32 to vector<128x768xf32>
    %mul3A_20 = arith.mulf %mul3A_19, %add3A_17 : vector<128x768xf32>
    %tanh3A = math.tanh %mul3A_20 : vector<128x768xf32>
    %add3A_21 = arith.constant 1.000000e+00 : f32
    %add3A_22 = vector.broadcast %add3A_21 : f32 to vector<128x768xf32>
    %add3A_23 = arith.addf %add3A_22, %tanh3A : vector<128x768xf32>
    %mul3A_24 = arith.constant 5.000000e-01 : f32
    %mul3A_25 = vector.broadcast %mul3A_24 : f32 to vector<128x768xf32>
    %mul3A_26 = arith.mulf %mul3A_25, %add3A_23 : vector<128x768xf32>
    %mul3A_27 = arith.mulf %add3A_13, %mul3A_26 : vector<128x768xf32>
    %get3A_28 = arith.constant 0 : index
    %get3A_29 = arith.constant 0 : index
    %get3A_30 = arith.constant 0 : index
    %get3A_31 = vector.load %arg4[%get3A_28, %get3A_29, %get3A_30] : memref<2x768x768xf32, #tpu.memory_space<vmem>>, vector<1x768x768xf32>
    %get3A_32 = vector.shape_cast %get3A_31 : vector<1x768x768xf32> to vector<768x768xf32>
    %dot_general3A_33 = arith.constant dense<0.000000e+00> : vector<128x768xf32>
    %dot_general3A_34 = tpu.matmul %mul3A_27, %get3A_32, %dot_general3A_33 {dimension_numbers = #tpu.dot_dimension_numbers<[1], [0], [0], [1], [0, 0, 1, 1], [], []>, transpose_lhs_hint = false} : vector<128x768xf32>, vector<768x768xf32>, vector<128x768xf32> -> vector<128x768xf32>
    %get3A_35 = arith.constant 0 : index
    %get3A_36 = arith.constant 0 : index
    %get3A_37 = arith.constant 0 : index
    %get3A_38 = vector.load %arg5[%get3A_35, %get3A_36, %get3A_37] : memref<2x1x768xf32, #tpu.memory_space<vmem>>, vector<1x1x768xf32>
    %get3A_39 = vector.shape_cast %get3A_38 : vector<1x1x768xf32> to vector<1x768xf32>
    %add3A_40 = vector.broadcast %get3A_39 : vector<1x768xf32> to vector<128x768xf32>
    %add3A_41 = arith.addf %dot_general3A_34, %add3A_40 : vector<128x768xf32>
    %swap3A = arith.constant 0 : index
    %swap3A_42 = arith.constant 0 : index
    %swap3A_43 = vector.load %arg6[%swap3A, %swap3A_42] : memref<256x768xf32, #tpu.memory_space<vmem>>, vector<128x768xf32>
    tpu.vector_store %arg6[%swap3A, %swap3A_42], %add3A_41 {strides = array<i32>} : memref<256x768xf32, #tpu.memory_space<vmem>>, vector<128x768xf32>,
    %get3A_44 = arith.constant 128 : index
    %get3A_45 = arith.constant 0 : index
    %get3A_46 = vector.load %arg1[%get3A_44, %get3A_45] : memref<256x768xf32, #tpu.memory_space<vmem>>, vector<128x768xf32>
    %get3A_47 = arith.constant 1 : index
    %get3A_48 = arith.constant 0 : index
    %get3A_49 = arith.constant 0 : index
    %get3A_50 = vector.load %arg2[%get3A_47, %get3A_48, %get3A_49] : memref<2x768x768xf32, #tpu.memory_space<vmem>>, vector<1x768x768xf32>
    %get3A_51 = vector.shape_cast %get3A_50 : vector<1x768x768xf32> to vector<768x768xf32>
    %dot_general3A_52 = arith.constant dense<0.000000e+00> : vector<128x768xf32>
    %dot_general3A_53 = tpu.matmul %get3A_46, %get3A_51, %dot_general3A_52 {dimension_numbers = #tpu.dot_dimension_numbers<[1], [0], [0], [1], [0, 0, 1, 1], [], []>, transpose_lhs_hint = false} : vector<128x768xf32>, vector<768x768xf32>, vector<128x768xf32> -> vector<128x768xf32>
    %get3A_54 = arith.constant 1 : index
    %get3A_55 = arith.constant 0 : index
    %get3A_56 = arith.constant 0 : index
    %get3A_57 = vector.load %arg3[%get3A_54, %get3A_55, %get3A_56] : memref<2x1x768xf32, #tpu.memory_space<vmem>>, vector<1x1x768xf32>
    %get3A_58 = vector.shape_cast %get3A_57 : vector<1x1x768xf32> to vector<1x768xf32>
    %add3A_59 = vector.broadcast %get3A_58 : vector<1x768xf32> to vector<128x768xf32>
    %add3A_60 = arith.addf %dot_general3A_53, %add3A_59 : vector<128x768xf32>
    %integer_pow3A_61 = arith.mulf %add3A_60, %add3A_60 : vector<128x768xf32>
    %integer_pow3A_62 = arith.mulf %add3A_60, %integer_pow3A_61 : vector<128x768xf32>
    %mul3A_63 = arith.constant 4.471500e-02 : f32
    %mul3A_64 = vector.broadcast %mul3A_63 : f32 to vector<128x768xf32>
    %mul3A_65 = arith.mulf %mul3A_64, %integer_pow3A_62 : vector<128x768xf32>
    %add3A_66 = arith.addf %add3A_60, %mul3A_65 : vector<128x768xf32>
    %mul3A_67 = arith.constant 0.797884583 : f32
    %mul3A_68 = vector.broadcast %mul3A_67 : f32 to vector<128x768xf32>
    %mul3A_69 = arith.mulf %mul3A_68, %add3A_66 : vector<128x768xf32>
    %tanh3A_70 = math.tanh %mul3A_69 : vector<128x768xf32>
    %add3A_71 = arith.constant 1.000000e+00 : f32
    %add3A_72 = vector.broadcast %add3A_71 : f32 to vector<128x768xf32>
    %add3A_73 = arith.addf %add3A_72, %tanh3A_70 : vector<128x768xf32>
    %mul3A_74 = arith.constant 5.000000e-01 : f32
    %mul3A_75 = vector.broadcast %mul3A_74 : f32 to vector<128x768xf32>
    %mul3A_76 = arith.mulf %mul3A_75, %add3A_73 : vector<128x768xf32>
    %mul3A_77 = arith.mulf %add3A_60, %mul3A_76 : vector<128x768xf32>
    %get3A_78 = arith.constant 1 : index
    %get3A_79 = arith.constant 0 : index
    %get3A_80 = arith.constant 0 : index
    %get3A_81 = vector.load %arg4[%get3A_78, %get3A_79, %get3A_80] : memref<2x768x768xf32, #tpu.memory_space<vmem>>, vector<1x768x768xf32>
    %get3A_82 = vector.shape_cast %get3A_81 : vector<1x768x768xf32> to vector<768x768xf32>
    %dot_general3A_83 = arith.constant dense<0.000000e+00> : vector<128x768xf32>
    %dot_general3A_84 = tpu.matmul %mul3A_77, %get3A_82, %dot_general3A_83 {dimension_numbers = #tpu.dot_dimension_numbers<[1], [0], [0], [1], [0, 0, 1, 1], [], []>, transpose_lhs_hint = false} : vector<128x768xf32>, vector<768x768xf32>, vector<128x768xf32> -> vector<128x768xf32>
    %get3A_85 = arith.constant 1 : index
    %get3A_86 = arith.constant 0 : index
    %get3A_87 = arith.constant 0 : index
    %get3A_88 = vector.load %arg5[%get3A_85, %get3A_86, %get3A_87] : memref<2x1x768xf32, #tpu.memory_space<vmem>>, vector<1x1x768xf32>
    %get3A_89 = vector.shape_cast %get3A_88 : vector<1x1x768xf32> to vector<1x768xf32>
    %add3A_90 = vector.broadcast %get3A_89 : vector<1x768xf32> to vector<128x768xf32>
    %add3A_91 = arith.addf %dot_general3A_84, %add3A_90 : vector<128x768xf32>
    %swap3A_92 = arith.constant 128 : index
    %swap3A_93 = arith.constant 0 : index
    %swap3A_94 = vector.load %arg6[%swap3A_92, %swap3A_93] : memref<256x768xf32, #tpu.memory_space<vmem>>, vector<128x768xf32>
    tpu.vector_store %arg6[%swap3A_92, %swap3A_93], %add3A_91 {strides = array<i32>} : memref<256x768xf32, #tpu.memory_space<vmem>>, vector<128x768xf32>,
    return
  }
  func.func @transform_0(%arg0: i32) -> (i32, i32) {
    %c0_i32 = arith.constant 0 : i32
    %c0_i32_0 = arith.constant 0 : i32
    return %arg0, %c0_i32 : i32, i32
  }
  func.func @transform_1(%arg0: i32) -> (i32, i32, i32) {
    %c0_i32 = arith.constant 0 : i32
    %c0_i32_0 = arith.constant 0 : i32
    %c0_i32_1 = arith.constant 0 : i32
    return %arg0, %c0_i32, %c0_i32_0 : i32, i32, i32
  }
  func.func @transform_2(%arg0: i32) -> (i32, i32, i32) {
    %c0_i32 = arith.constant 0 : i32
    %c0_i32_0 = arith.constant 0 : i32
    %c0_i32_1 = arith.constant 0 : i32
    return %arg0, %c0_i32, %c0_i32_0 : i32, i32, i32
  }
  func.func @transform_3(%arg0: i32) -> (i32, i32, i32) {
    %c0_i32 = arith.constant 0 : i32
    %c0_i32_0 = arith.constant 0 : i32
    %c0_i32_1 = arith.constant 0 : i32
    return %arg0, %c0_i32, %c0_i32_0 : i32, i32, i32
  }
  func.func @transform_4(%arg0: i32) -> (i32, i32, i32) {
    %c0_i32 = arith.constant 0 : i32
    %c0_i32_0 = arith.constant 0 : i32
    %c0_i32_1 = arith.constant 0 : i32
    return %arg0, %c0_i32, %c0_i32_0 : i32, i32, i32
  }
  func.func @transform_5(%arg0: i32) -> (i32, i32) {
    %c0_i32 = arith.constant 0 : i32
    %c0_i32_0 = arith.constant 0 : i32
    return %arg0, %c0_i32 : i32, i32
  }
}

module attributes {stable_mosaic.version = 14 : i64} {
  func.func @_final_kernel(%arg0: i32, %arg1: memref<512x768xf32, #tpu.memory_space<vmem>>, %arg2: memref<512x1xf32, #tpu.memory_space<vmem>>, %arg3: memref<512x1xf32, #tpu.memory_space<vmem>>, %arg4: memref<512x768xf32, #tpu.memory_space<vmem>>, %arg5: memref<512x768xf32, #tpu.memory_space<vmem>>, %arg6: memref<512x768xf32, #tpu.memory_space<vmem>>) attributes {dimension_semantics = [#tpu.dimension_semantics<arbitrary>], iteration_bounds = array<i64: 4>, scalar_prefetch = 0 : i64, scratch_operands = 0 : i64, tpu.core_type = #tpu.core_type<tc>, window_params = [{transform_indices = @transform_0, window_bounds = array<i64: 512, 768>}, {transform_indices = @transform_1, window_bounds = array<i64: 512, 1>}, {transform_indices = @transform_2, window_bounds = array<i64: 512, 1>}, {transform_indices = @transform_3, window_bounds = array<i64: 512, 768>}, {transform_indices = @transform_4, window_bounds = array<i64: 512, 768>}, {transform_indices = @transform_5, window_bounds = array<i64: 512, 768>}]} {
    %get3A = arith.constant 0 : index
    %get3A_0 = arith.constant 0 : index
    %get3A_1 = vector.load %arg1[%get3A, %get3A_0] : memref<512x768xf32, #tpu.memory_space<vmem>>, vector<512x768xf32>
    %get3A_2 = arith.constant 0 : index
    %get3A_3 = arith.constant 0 : index
    %get3A_4 = vector.load %arg2[%get3A_2, %get3A_3] : memref<512x1xf32, #tpu.memory_space<vmem>>, vector<512x1xf32>
    %get3A_5 = arith.constant 0 : index
    %get3A_6 = arith.constant 0 : index
    %get3A_7 = vector.load %arg4[%get3A_5, %get3A_6] : memref<512x768xf32, #tpu.memory_space<vmem>>, vector<512x768xf32>
    %mul3A = vector.broadcast %get3A_4 : vector<512x1xf32> to vector<512x768xf32>
    %mul3A_8 = arith.mulf %mul3A, %get3A_7 : vector<512x768xf32>
    %add3A = arith.addf %get3A_1, %mul3A_8 : vector<512x768xf32>
    %get3A_9 = arith.constant 0 : index
    %get3A_10 = arith.constant 0 : index
    %get3A_11 = vector.load %arg3[%get3A_9, %get3A_10] : memref<512x1xf32, #tpu.memory_space<vmem>>, vector<512x1xf32>
    %get3A_12 = arith.constant 0 : index
    %get3A_13 = arith.constant 0 : index
    %get3A_14 = vector.load %arg5[%get3A_12, %get3A_13] : memref<512x768xf32, #tpu.memory_space<vmem>>, vector<512x768xf32>
    %mul3A_15 = vector.broadcast %get3A_11 : vector<512x1xf32> to vector<512x768xf32>
    %mul3A_16 = arith.mulf %mul3A_15, %get3A_14 : vector<512x768xf32>
    %add3A_17 = arith.addf %add3A, %mul3A_16 : vector<512x768xf32>
    %swap3A = arith.constant 0 : index
    %swap3A_18 = arith.constant 0 : index
    %swap3A_19 = vector.load %arg6[%swap3A, %swap3A_18] : memref<512x768xf32, #tpu.memory_space<vmem>>, vector<512x768xf32>
    tpu.vector_store %arg6[%swap3A, %swap3A_18], %add3A_17 {strides = array<i32>} : memref<512x768xf32, #tpu.memory_space<vmem>>, vector<512x768xf32>,
    return
  }
  func.func @transform_0(%arg0: i32) -> (i32, i32) {
    %c0_i32 = arith.constant 0 : i32
    %c0_i32_0 = arith.constant 0 : i32
    return %arg0, %c0_i32 : i32, i32
  }
  func.func @transform_1(%arg0: i32) -> (i32, i32) {
    %c0_i32 = arith.constant 0 : i32
    %c0_i32_0 = arith.constant 0 : i32
    return %arg0, %c0_i32 : i32, i32
  }
  func.func @transform_2(%arg0: i32) -> (i32, i32) {
    %c0_i32 = arith.constant 0 : i32
    %c0_i32_0 = arith.constant 0 : i32
    return %arg0, %c0_i32 : i32, i32
  }
  func.func @transform_3(%arg0: i32) -> (i32, i32) {
    %c0_i32 = arith.constant 0 : i32
    %c0_i32_0 = arith.constant 0 : i32
    return %arg0, %c0_i32 : i32, i32
  }
  func.func @transform_4(%arg0: i32) -> (i32, i32) {
    %c0_i32 = arith.constant 0 : i32
    %c0_i32_0 = arith.constant 0 : i32
    return %arg0, %c0_i32 : i32, i32
  }
  func.func @transform_5(%arg0: i32) -> (i32, i32) {
    %c0_i32 = arith.constant 0 : i32
    %c0_i32_0 = arith.constant 0 : i32
    return %arg0, %c0_i32 : i32, i32
  }
}

</mosaic_0001>

<sc_bundles>
// kernel: kernel.12.cloned.1.call-start
scs
__scs_entry_jumppad:
0x0: {  	(pc) =	sbr.rel $0x88, $3  }
0x1: {  	(tag) =	ssettag $0x0;
	lr =	simm.s32 $0x1  }
0x2: {  	[smem:$0x3F91] =	sst lr;
	_ =	strace $0xD0000000  }
0x3: {  	_ = 	snop  }
0x4: {  	_ = 	snop  }
0x5: {  	_ = 	snop  }
0x6: {  	_ = 	snop  }
0x7: {  	_ = 	snop  }
__scs_overlays_trampoline_lowered:
0x8: {  	[smem:$0x3FA0] =	sst s0  }
0x9: {  	[smem:$0x3FA1] =	sst s1  }
0xa: {  	[smem:$0x3FA2] =	sst s2  }
0xb: {  	[smem:$0x3FA3] =	sst s3  }
0xc: {  	[smem:$0x3FA4] =	sst s4  }
0xd: {  	[smem:$0x3FA5] =	sst s5  }
0xe: {  	[smem:$0x3FA6] =	sst s6  }
0xf: {  	[smem:$0x3FA7] =	sst s7  }
0x10: {  	[smem:$0x3FA8] =	sst s8  }
0x11: {  	[smem:$0x3FA9] =	sst s9;
	s0 =	simm.s32 @!p0 $0x0  }
0x12: {  	s1 =	sld [smem:$0x3F8F];
	s0 =	simm.s32 @p0 $0x1  }
0x13: {  	[smem:$0x3FAA] =	sst s0;
	s0 =	simm.s32 @!p1 $0x0  }
0x14: {  	s2 =	sld [smem:$0x3F8E];
	s0 =	simm.s32 @p1 $0x1  }
0x15: {  	[smem:$0x3FAB] =	sst s0;
	s0 =	simm.s32 @!p2 $0x0  }
0x16: {  	s3 =	sld [smem:$0x3FDB];
	s0 =	simm.s32 @p2 $0x1  }
0x17: {  	s4 =	simm.s32 $0x1BF5;
	[smem:$0x3FAD] =	sst s0  }
0x18: {  	s0 =	sld [smem:$0x3F90];
	_ =	swait.ge [sflag:s4], $0x0  }
0x19: {  	s7 =	sld [smem:$0x3F91]  }
0x1a: {  	s8 =	sadd.s32 $0xFFFFE003, lr  }
0x1b: {  	s9 =	sadd.s32 $0xFFFFFEF7, lr;
	s5 =	simm.s32 $0xFFFFFFFF;
	p2 =	slt.u32 s8, $0xFFFFF086  }
0x1c: {  	p1 =	slt.u32 s9, $0xF7A;
	s5 =	simm.s32 @!p2 $0x0  }
0x1d: {  	s5 =	simm.s32 @p1 $0x1;
	p0 =	seq.s32 s7, s2  }
0x1e: {  	s7 =	smul.u32 @!p0 $0xF7A, s2;
	p2 =	seq.s32 @!p0 s5, $0x0  }
0x1f: {  	s9 =	smul.u32 $0xF7A, s1;
	s8 =	simm.s32 @!p0 $0x1BF5;
	p2 =	por !p2, p0  }
0x20: {  	[sflag:s8] =	ssyncset.s32 @!p0 $0xFFFFF086;
	s6 =	sadd.s32 @!p0 s3, s7;
	s7 =	simm.s32 @!p0 $0x108  }
0x21: {  	s3 =	sadd.s32 s3, s9;
	s6 =	sadd.s32 @!p0 $0x88, s6;
	s7 =	simm.s32 @p2 $0x1082  }
0x22: {  	[simem:s7], [sflag:s8] =	dma.local @!p0 [hbm:s6], $0xF7A  }
0x23: {  	s9 =	sor.u32 $0xD0000000, s2;
	s6 =	simm.s32 $0x108;
	_ =	swait.ge @!p0 [sflag:s8], $0x0  }
0x24: {  	s3 =	sadd.s32 $0x88, s3;
	s6 =	simm.s32 @!p1 $0x1082;
	[sflag:s4] =	ssyncset.s32 $0xFFFFF086  }
0x25: {  	[simem:s6], [sflag:s4] =	dma.local [hbm:s3], $0xF7A  }
0x26: {  	[smem:$0x3F91] =	sst s1;
	(tag) =	ssettag s2;
	_ =	strace s9  }
0x27: {  	s1 =	sld [smem:$0x3FA1]  }
0x28: {  	s2 =	sld [smem:$0x3FA2]  }
0x29: {  	s4 =	sld [smem:$0x3FA4]  }
0x2a: {  	p0 =	seq.s32 s5, $0x0;
	s5 =	sld [smem:$0x3FA5]  }
0x2b: {  	s6 =	sld [smem:$0x3FA6]  }
0x2c: {  	s7 =	sld [smem:$0x3FA7]  }
0x2d: {  	s3 =	simm.s32 $0x108;
	s8 =	sld [smem:$0x3FA8]  }
0x2e: {  	s3 =	simm.s32 @!p0 $0x1082;
	s9 =	sld [smem:$0x3FA9]  }
0x2f: {  	lr =	sadd.s32 s0, s3;
	s0 =	sld [smem:$0x3FA0]  }
0x30: {  	s3 =	sld [smem:$0x3FA3]  }
0x31: {  	[smem:$0x3FAC] =	sst s10  }
0x32: {  	s10 =	sld [smem:$0x3FAA];
	_ =	sdelay $0x3  }
0x33: {  	p0 =	seq.s32 s10, $0x1;
	s10 =	sld [smem:$0x3FAC];
	_ =	sdelay $0x3  }
0x34: {  	[smem:$0x3FAC] =	sst s10  }
0x35: {  	s10 =	sld [smem:$0x3FAB];
	_ =	sdelay $0x3  }
0x36: {  	p1 =	seq.s32 s10, $0x1;
	s10 =	sld [smem:$0x3FAC];
	_ =	sdelay $0x3  }
0x37: {  	[smem:$0x3FAC] =	sst s10  }
0x38: {  	s10 =	sld [smem:$0x3FAD]  }
0x39: {  	_ = 	snop;
	(pc) =	sbr.ind lr, $3  }
0x3a: {  	_ = 	snop  }
0x3b: {  	_ = 	snop  }
0x3c: {  	p2 =	seq.s32 s10, $0x1;
	s10 =	sld [smem:$0x3FAC]  }
0x3d: {  	_ =	shalt  }
0x3e: {  	_ =	shalt  }
0x3f: {  	_ =	shalt  }
0x40: {  	_ =	shalt  }
0x41: {  	_ =	shalt  }
0x42: {  	_ =	shalt  }
0x43: {  	_ =	shalt  }
0x44: {  	_ =	shalt  }
0x45: {  	_ =	shalt  }
0x46: {  	_ =	shalt  }
0x47: {  	_ =	shalt  }
0x48: {  	_ =	shalt  }
0x49: {  	_ =	shalt  }
0x4a: {  	_ =	shalt  }
0x4b: {  	_ =	shalt  }
0x4c: {  	_ =	shalt  }
0x4d: {  	_ =	shalt  }
0x4e: {  	_ =	shalt  }
0x4f: {  	_ =	shalt  }
0x50: {  	_ =	shalt  }
0x51: {  	_ =	shalt  }
0x52: {  	_ =	shalt  }
0x53: {  	_ =	shalt  }
0x54: {  	_ =	shalt  }
0x55: {  	_ =	shalt  }
0x56: {  	_ =	shalt  }
0x57: {  	_ =	shalt  }
0x58: {  	_ =	shalt  }
0x59: {  	_ =	shalt  }
0x5a: {  	_ =	shalt  }
0x5b: {  	_ =	shalt  }
0x5c: {  	_ =	shalt  }
0x5d: {  	_ =	shalt  }
0x5e: {  	_ =	shalt  }
0x5f: {  	_ =	shalt  }
0x60: {  	_ =	shalt  }
0x61: {  	_ =	shalt  }
0x62: {  	_ =	shalt  }
0x63: {  	_ =	shalt  }
0x64: {  	_ =	shalt  }
0x65: {  	_ =	shalt  }
0x66: {  	_ =	shalt  }
0x67: {  	_ =	shalt  }
0x68: {  	_ =	shalt  }
0x69: {  	_ =	shalt  }
0x6a: {  	_ =	shalt  }
0x6b: {  	_ =	shalt  }
0x6c: {  	_ =	shalt  }
0x6d: {  	_ =	shalt  }
0x6e: {  	_ =	shalt  }
0x6f: {  	_ =	shalt  }
0x70: {  	_ =	shalt  }
0x71: {  	_ =	shalt  }
0x72: {  	_ =	shalt  }
0x73: {  	_ =	shalt  }
0x74: {  	_ =	shalt  }
0x75: {  	_ =	shalt  }
0x76: {  	_ =	shalt  }
0x77: {  	_ =	shalt  }
0x78: {  	_ =	shalt  }
0x79: {  	_ =	shalt  }
0x7a: {  	_ =	shalt  }
0x7b: {  	_ =	shalt  }
0x7c: {  	_ =	shalt  }
0x7d: {  	_ =	shalt  }
0x7e: {  	_ =	shalt  }
0x7f: {  	_ =	shalt  }
0x80: {  	_ =	shalt  }
0x81: {  	_ =	shalt  }
0x82: {  	_ =	shalt  }
0x83: {  	_ =	shalt  }
0x84: {  	_ =	shalt  }
0x85: {  	_ =	shalt  }
0x86: {  	_ =	shalt  }
0x87: {  	_ =	shalt  }
.Lfunc_end0:
.L_simem_size_0:
called_computation.1_lowered:
.L_overlay_start_0:
0x88: {  	s2 =	sld [smem:$0x3FD9]  }
0x89: {  	s3 =	sld [smem:$0x3FFE];
	_ =	sdelay $0x1  }
0x8a: {  	s1 =	srdreg.scid  }
0x8b: {  	s0 =	sand.u32 $0x1, s1  }
0x8c: {  	s16 =	sshll.u32 s0, $0xA;
	s2 =	sadd.s32 s3, s2  }
0x8d: {  	s2 =	sadd.s32 s2, s16  }
0x8e: {  	[smem:$0x3FB8] =	sst s2  }
0x8f: {  	_ = 	snop  }
0x90: {  	(tm) =	ssettm $0x1  }
0x91: {  	s17 =	sld [smem:$0x3FFB];
	_ =	sdelay $0x3  }
0x92: {  	_ =	strace s17  }
0x93: {  	s2 =	sld [smem:$0x3FFC];
	_ =	sdelay $0x3  }
0x94: {  	_ =	strace s2  }
0x95: {  	s2 =	sld [smem:$0x3FFD];
	_ =	sdelay $0x3  }
0x96: {  	_ =	strace s2  }
0x97: {  	_ =	strace $0x8FFFFFFF  }
0x98: {  	s18 =	sld [smem:$0x3FDB];
	_ =	sdelay $0x1  }
0x99: {  	s19 =	simm.s32 $_scs_section_size  }
0x9a: {  	s4 =	simm.s32 $_size__tile_overlayer_lowered;
	s5 =	simm.s32 $_tile_overlayer_lowered  }
0x9b: {  	s22 =	simm.s32 $0x1BFF;
	s21 =	sshll.u32 s5, $0x1;
	s2 =	sadd.s32 s19, s18  }
0x9c: {  	s6 =	simm.s32 $0x0;
	s20 =	sshll.u32 s4, $0x1;
	s4 =	sadd.s32 s21, s2  }
0x9d: {  	[timem:s6], [sflag:s22] =	dma.local [hbm:s4], s20  }
0x9e: {  	_ =	swait.ge [sflag:s22], s20  }
0x9f: {  	s3 =	ssub.s32 $0x0, s20;
	[sflag:s22] =	ssyncset.done $0x0  }
0xa0: {  	[sflag:s22] =	ssyncadd.s32 s3;
	_ =	sdelay $0x1  }
0xa1: {  	s23 =	simm.s32 $0x1B8B  }
0xa2: {  	_ =	swait.ge [sflag:s23], $0x1  }
0xa3: {  	[sflag:s23] =	ssyncset.done $0x0  }
0xa4: {  	s25 =	simm.s32 $0x1B8E;
	s24 =	sld [smem:$0x3FFE];
	[sflag:s23] =	ssyncadd.s32 $0xFFFFFFFF  }
0xa5: {  	s26 =	simm.s32 $execute0_lowered;
	[smem:$0x3FD2] =	sst s25  }
0xa6: {  	s4 =	sshll.u32 s26, $0x1;
	_ =	strace $0x80000049;
	[dreg:$0x1] =	wrdreg $0xFFFFFFFF  }
0xa7: {  	s28 =	simm.s32 $_size_execute0_lowered;
	s2 =	sadd.s32 s2, s4;
	[dreg:$0x0] =	wrdreg $0x0  }
0xa8: {  	s4 =	sshll.u32 s28, $0x1;
	[dreg:$0x2] =	wrdreg s2  }
0xa9: {  	[dreg:$0x3] =	wrdreg s4  }
0xaa: {  	[dreg:$0x4] =	wrdreg $0xC0  }
0xab: {  	_ =	task [dreg:s6], $0x5FFFF  }
0xac: {  	[dreg:$0x1] =	wrdreg $0xFFFFFFFF  }
0xad: {  	[dreg:$0x0] =	wrdreg $0x60  }
0xae: {  	[dreg:$0x2] =	wrdreg s24  }
0xaf: {  	[dreg:$0x3] =	wrdreg $0x9  }
0xb0: {  	_ =	task.clear_ibuf [dreg:s6], $0x4FFFF;
	_ =	strace $0x90000049  }
0xb1: {  	s29 =	simm.s32 $0x9;
	_ =	strace $0x8000004B  }
0xb2: {  	_ =	swait.ge [sflag:s29], $0x1  }
0xb3: {  	[sflag:s29] =	ssyncadd.s32 $0xFFFFFFFF  }
0xb4: {  	_ =	strace $0x9000004B  }
0xb5: {  	_ =	sfence  }
0xb6: {  	s30 =	sld [smem:$0x0];
	_ =	sdelay $0x2  }
0xb7: {  	s31 =	sshll.u32 s1, $0xD;
	s1 =	sshrl.u32 s1, $0x2  }
0xb8: {  	s3 =	sand.u32 $0x4000, s31;
	s1 =	sadd.s32 s1, s30  }
0xb9: {  	s0 =	sor.u32 s3, s0;
	s1 =	sshll.u32 s1, $0x11  }
0xba: {  	s0 =	sor.u32 s1, s0  }
0xbb: {  	s0 =	sadd.s32 $0x8F2B, s0  }
0xbc: {  	[sflag:s0] =	ssyncadd.remote.s32 $0x1  }
0xbd: {  	_ =	sfence.sel $0xFFFF  }
0xbe: {  	[dreg:$0x0] =	wrdreg $0xFFFFFFFF;
	(pc) =	sbr.abs _section_cstart, $3  }
0xbf: {  	[dreg:$0x1] =	wrdreg $0xFFFFFFFF  }
0xc0: {  	_ =	task.clear_ibuf [dreg:s6], $0x2FFFF;
	_ =	strace $0x9FFFFFFF  }
0xc1: {  	(tm) =	ssettm $0x7FFFFFFF  }
tec
execute0_lowered:
.L_overlay_start_1:
0x0: {  	(tag) =	ssettag $0x1  }
0x1: {  	s0 =	srdreg.scid  }
0x2: {  	s2 =	stileid.u32;
	s1 =	rddreg [dreg:$0x0];
	s10 =	simm.s32 $0x880  }
0x3: {  	s11 =	simm.s32 $0x1080;
	s12 =	simm.s32 $0x1880;
	s13 =	simm.s32 $0x2080  }
0x4: {  	s14 =	simm.s32 $0x2880;
	s15 =	simm.s32 $0x3080;
	s16 =	simm.s32 $0x3880  }
0x5: {  	s17 =	simm.s32 $0x4080;
	s18 =	simm.s32 $0x4880;
	s19 =	simm.s32 $0x5080  }
0x6: {  	s20 =	simm.s32 $0x5880;
	s21 =	simm.s32 $0x6080;
	s22 =	simm.s32 $0x6880  }
0x7: {  	s23 =	simm.s32 $0x7080;
	s24 =	simm.s32 $0x7880;
	s28 =	simm.s32 $0x9080  }
0x8: {  	s29 =	simm.s32 $0x9880;
	s30 =	simm.s32 $0xA080;
	s31 =	simm.s32 $0xA880  }
0x9: {  	s0 =	sand.u32 $0x1, s0;
	s3 =	sshll.u32 s2, $0x4;
	s2 =	simm.s32 $0x0  }
0xa: {  	s4 =	sshll.u32 s0, $0x3;
	[smem:$0x7FF] =	sst s2;
	s0 =	ssub.s32 $0x2, s0  }
0xb: {  	s3 =	sor.u32 s4, s3;
	_ =	strace $0x8000004A;
	s7 =	sshrl.u32 s0, $0x1  }
0xc: {  	s4 =	smul.u32 $0x300, s3;
	s5 =	sadd.s32 s3, s1;
	s3 =	sadd.s32 $0x107C00, s1  }
0xd: {  	s0 =	ssub.s32 s0, s7;
	s7 =	simm.s32 $0x2;
	s6 =	sadd.s32 $0x41400, s5  }
0xe: {  	s5 =	sadd.s32 $0x41600, s5;
	s4 =	sadd.s32 s4, s1;
	[dreg:$0x2] =	wrdreg s6  }
0xf: {  	[dreg:$0x4] =	wrdreg s5;
	s5 =	sadd.s32 $0x107E00, s1;
	s6 =	smax.u32 s0, $0x1  }
0x10: {  	v2 =	vlaneseq.u32;
	s0 =	simm.s32 $0x1;
	s25 =	sadd.s32 $0x1400, s4;
	s26 =	sadd.s32 $0x41800, s4  }
0x11: {  	vm0 =	vmmov $0xffff;
	v1 =	vshrl.u32 v2, $0x3;
	s4 =	sadd.s32 $0x107D00, s1;
	s1 =	simm.s32 $0x80;
	[dreg:$0x3] =	wrdreg s25  }
0x12: {  	v0 =	vand.u32 $0x7, v2;
	v2 =	vor.u32 $0x8, v2;
	v1 =	vmul.u32 $0x8, v1;
	[dreg:$0x5] =	wrdreg s26;
	s25 =	simm.s32 $0x8080;
	s26 =	simm.s32 $0x8880  }
.LBB2_1:
0x13: {  	s9 =	rddreg [dreg:$0x2]  }
0x14: {  	[tilespmem:s2], [sflag:$0x2] =	stream.linear.gather [hbm4b:s9+s2], $0x40, $0x38;
	[tilespmem:$0xC080] =	vst v63  }
0x15: {  	_ =	swait.ge [sflag:s7], $0x40  }
0x16: {  	[sflag:s7] =	ssyncset.done $0x0  }
0x17: {  	[sflag:s7] =	ssyncadd.s32 $0xFFFFFFC0  }
0x18: {  	v3 =	vld [tilespmem:$0x0];
	_ =	sdelay $0x4  }
0x19: {  	v4 =	vshrl.u32 v3, $0x3  }
0x1a: {  	v4 =	vmul.u32 $0x30, v4  }
0x1b: {  	v3 =	vand.u32 $0x7, v3  }
0x1c: {  	v3 =	vor.u32 v3, v4  }
0x1d: {  	v4 =	vperm.xlane v3, v0;
	_ =	sdelay $0x1  }
0x1e: {  	v4 =	vadd.s32 v1, v4;
	_ =	sdelay $0x3  }
0x1f: {  	v3 =	vperm.xlane v3, v2  }
0x20: {  	[tilespmem:s1], [sflag:$0x1] =	stream.indirect_vreg.gather [hbm4b:s3+s2], $0x80, v4, vm0, $0xb8;
	[tilespmem:$0xC080] =	vst v63  }
0x21: {  	v3 =	vadd.s32 v1, v3  }
0x22: {  	[tilespmem:s10], [sflag:$0x1] =	stream.indirect_vreg.gather [hbm4b:s4+s2], $0x80, v4, vm0, $0xb8;
	[tilespmem:$0xC080] =	vst v63  }
0x23: {  	_ = 	snop  }
0x24: {  	[tilespmem:s11], [sflag:$0x1] =	stream.indirect_vreg.gather [hbm4b:s5+s2], $0x80, v4, vm0, $0xb8;
	[tilespmem:$0xC080] =	vst v63  }
0x25: {  	_ = 	snop  }
0x26: {  	[tilespmem:s12], [sflag:$0x1] =	stream.indirect_vreg.gather [hbm4b:s3+s2], $0x80, v3, vm0, $0xb8;
	[tilespmem:$0xC080] =	vst v63  }
0x27: {  	_ = 	snop  }
0x28: {  	[tilespmem:s13], [sflag:$0x1] =	stream.indirect_vreg.gather [hbm4b:s4+s2], $0x80, v3, vm0, $0xb8;
	[tilespmem:$0xC080] =	vst v63  }
0x29: {  	_ = 	snop  }
0x2a: {  	[tilespmem:s14], [sflag:$0x1] =	stream.indirect_vreg.gather [hbm4b:s5+s2], $0x80, v3, vm0, $0xb8;
	[tilespmem:$0xC080] =	vst v63  }
0x2b: {  	v3 =	vld [tilespmem:$0x10];
	_ =	sdelay $0x4  }
0x2c: {  	v57 =	vshrl.u32 v3, $0x3  }
0x2d: {  	v4 =	vmul.u32 $0x30, v57  }
0x2e: {  	v3 =	vand.u32 $0x7, v3  }
0x2f: {  	v3 =	vor.u32 v3, v4  }
0x30: {  	v4 =	vperm.xlane v3, v0;
	_ =	sdelay $0x1  }
0x31: {  	v4 =	vadd.s32 v1, v4;
	_ =	sdelay $0x3  }
0x32: {  	v3 =	vperm.xlane v3, v2  }
0x33: {  	[tilespmem:s15], [sflag:$0x1] =	stream.indirect_vreg.gather [hbm4b:s3+s2], $0x80, v4, vm0, $0xb8;
	[tilespmem:$0xC080] =	vst v63  }
0x34: {  	v3 =	vadd.s32 v1, v3  }
0x35: {  	[tilespmem:s16], [sflag:$0x1] =	stream.indirect_vreg.gather [hbm4b:s4+s2], $0x80, v4, vm0, $0xb8;
	[tilespmem:$0xC080] =	vst v63  }
0x36: {  	_ = 	snop  }
0x37: {  	[tilespmem:s17], [sflag:$0x1] =	stream.indirect_vreg.gather [hbm4b:s5+s2], $0x80, v4, vm0, $0xb8;
	[tilespmem:$0xC080] =	vst v63  }
0x38: {  	_ = 	snop  }
0x39: {  	[tilespmem:s18], [sflag:$0x1] =	stream.indirect_vreg.gather [hbm4b:s3+s2], $0x80, v3, vm0, $0xb8;
	[tilespmem:$0xC080] =	vst v63  }
0x3a: {  	_ = 	snop  }
0x3b: {  	[tilespmem:s19], [sflag:$0x1] =	stream.indirect_vreg.gather [hbm4b:s4+s2], $0x80, v3, vm0, $0xb8;
	[tilespmem:$0xC080] =	vst v63  }
0x3c: {  	_ = 	snop  }
0x3d: {  	[tilespmem:s20], [sflag:$0x1] =	stream.indirect_vreg.gather [hbm4b:s5+s2], $0x80, v3, vm0, $0xb8;
	[tilespmem:$0xC080] =	vst v63  }
0x3e: {  	v3 =	vld [tilespmem:$0x20];
	_ =	sdelay $0x4  }
0x3f: {  	v58 =	vshrl.u32 v3, $0x3  }
0x40: {  	v4 =	vmul.u32 $0x30, v58  }
0x41: {  	v3 =	vand.u32 $0x7, v3  }
0x42: {  	v3 =	vor.u32 v3, v4  }
0x43: {  	v4 =	vperm.xlane v3, v0;
	_ =	sdelay $0x1  }
0x44: {  	v4 =	vadd.s32 v1, v4;
	_ =	sdelay $0x3  }
0x45: {  	v3 =	vperm.xlane v3, v2  }
0x46: {  	[tilespmem:s21], [sflag:$0x1] =	stream.indirect_vreg.gather [hbm4b:s3+s2], $0x80, v4, vm0, $0xb8;
	[tilespmem:$0xC080] =	vst v63  }
0x47: {  	v3 =	vadd.s32 v1, v3  }
0x48: {  	[tilespmem:s22], [sflag:$0x1] =	stream.indirect_vreg.gather [hbm4b:s4+s2], $0x80, v4, vm0, $0xb8;
	[tilespmem:$0xC080] =	vst v63  }
0x49: {  	_ = 	snop  }
0x4a: {  	[tilespmem:s23], [sflag:$0x1] =	stream.indirect_vreg.gather [hbm4b:s5+s2], $0x80, v4, vm0, $0xb8;
	[tilespmem:$0xC080] =	vst v63  }
0x4b: {  	_ = 	snop  }
0x4c: {  	[tilespmem:s24], [sflag:$0x1] =	stream.indirect_vreg.gather [hbm4b:s3+s2], $0x80, v3, vm0, $0xb8;
	[tilespmem:$0xC080] =	vst v63  }
0x4d: {  	_ = 	snop  }
0x4e: {  	[tilespmem:s25], [sflag:$0x1] =	stream.indirect_vreg.gather [hbm4b:s4+s2], $0x80, v3, vm0, $0xb8;
	[tilespmem:$0xC080] =	vst v63  }
0x4f: {  	_ = 	snop  }
0x50: {  	[tilespmem:s26], [sflag:$0x1] =	stream.indirect_vreg.gather [hbm4b:s5+s2], $0x80, v3, vm0, $0xb8;
	[tilespmem:$0xC080] =	vst v63  }
0x51: {  	v3 =	vld [tilespmem:$0x30];
	_ =	sdelay $0x4  }
0x52: {  	v59 =	vshrl.u32 v3, $0x3  }
0x53: {  	v4 =	vmul.u32 $0x30, v59  }
0x54: {  	v3 =	vand.u32 $0x7, v3  }
0x55: {  	v3 =	vor.u32 v3, v4  }
0x56: {  	v4 =	vperm.xlane v3, v0;
	_ =	sdelay $0x1  }
0x57: {  	v4 =	vadd.s32 v1, v4;
	_ =	sdelay $0x3  }
0x58: {  	v3 =	vperm.xlane v3, v2  }
0x59: {  	[tilespmem:s28], [sflag:$0x1] =	stream.indirect_vreg.gather [hbm4b:s3+s2], $0x80, v4, vm0, $0xb8;
	[tilespmem:$0xC080] =	vst v63  }
0x5a: {  	v3 =	vadd.s32 v1, v3  }
0x5b: {  	[tilespmem:s29], [sflag:$0x1] =	stream.indirect_vreg.gather [hbm4b:s4+s2], $0x80, v4, vm0, $0xb8;
	[tilespmem:$0xC080] =	vst v63  }
0x5c: {  	_ = 	snop  }
0x5d: {  	[tilespmem:s30], [sflag:$0x1] =	stream.indirect_vreg.gather [hbm4b:s5+s2], $0x80, v4, vm0, $0xb8;
	[tilespmem:$0xC080] =	vst v63  }
0x5e: {  	_ = 	snop  }
0x5f: {  	[tilespmem:s31], [sflag:$0x1] =	stream.indirect_vreg.gather [hbm4b:s3+s2], $0x80, v3, vm0, $0xb8;
	[tilespmem:$0xC080] =	vst v63  }
0x60: {  	s8 =	simm.s32 $0xB080  }
0x61: {  	[tilespmem:s8], [sflag:$0x1] =	stream.indirect_vreg.gather [hbm4b:s4+s2], $0x80, v3, vm0, $0xb8;
	[tilespmem:$0xC080] =	vst v63  }
0x62: {  	s8 =	simm.s32 $0xB880  }
0x63: {  	[tilespmem:s8], [sflag:$0x1] =	stream.indirect_vreg.gather [hbm4b:s5+s2], $0x80, v3, vm0, $0xb8;
	[tilespmem:$0xC080] =	vst v63  }
0x64: {  	_ =	swait.ge [sflag:s0], $0xC000  }
0x65: {  	[sflag:s0] =	ssyncset.done $0x0  }
0x66: {  	s9 =	rddreg [dreg:$0x3];
	[sflag:s0] =	ssyncadd.s32 $0xFFFF4000  }
0x67: {  	[hbm4b:s9+s2] =	stream.linear.scatter [tilespmem:s1], [sflag:$0x2], $0xC000, $0x38;
	[tilespmem:$0xC080] =	vst v63  }
0x68: {  	_ =	swait.ge [sflag:s7], $0xC000  }
0x69: {  	[sflag:s7] =	ssyncset.done $0x0  }
0x6a: {  	s9 =	rddreg [dreg:$0x4];
	[sflag:s7] =	ssyncadd.s32 $0xFFFF4000  }
0x6b: {  	[tilespmem:s2], [sflag:$0x2] =	stream.linear.gather [hbm4b:s9+s2], $0x40, $0x38;
	[tilespmem:$0xC080] =	vst v63  }
0x6c: {  	_ =	swait.ge [sflag:s7], $0x40  }
0x6d: {  	[sflag:s7] =	ssyncset.done $0x0  }
0x6e: {  	[sflag:s7] =	ssyncadd.s32 $0xFFFFFFC0  }
0x6f: {  	v3 =	vld [tilespmem:$0x0];
	_ =	sdelay $0x4  }
0x70: {  	v60 =	vshrl.u32 v3, $0x3  }
0x71: {  	v4 =	vmul.u32 $0x30, v60  }
0x72: {  	v3 =	vand.u32 $0x7, v3  }
0x73: {  	v3 =	vor.u32 v3, v4  }
0x74: {  	v4 =	vperm.xlane v3, v0;
	_ =	sdelay $0x1  }
0x75: {  	v4 =	vadd.s32 v1, v4;
	_ =	sdelay $0x3  }
0x76: {  	v3 =	vperm.xlane v3, v2  }
0x77: {  	[tilespmem:s1], [sflag:$0x1] =	stream.indirect_vreg.gather [hbm4b:s3+s2], $0x80, v4, vm0, $0xb8;
	[tilespmem:$0xC080] =	vst v63  }
0x78: {  	v3 =	vadd.s32 v1, v3  }
0x79: {  	[tilespmem:s10], [sflag:$0x1] =	stream.indirect_vreg.gather [hbm4b:s4+s2], $0x80, v4, vm0, $0xb8;
	[tilespmem:$0xC080] =	vst v63  }
0x7a: {  	_ = 	snop  }
0x7b: {  	[tilespmem:s11], [sflag:$0x1] =	stream.indirect_vreg.gather [hbm4b:s5+s2], $0x80, v4, vm0, $0xb8;
	[tilespmem:$0xC080] =	vst v63  }
0x7c: {  	_ = 	snop  }
0x7d: {  	[tilespmem:s12], [sflag:$0x1] =	stream.indirect_vreg.gather [hbm4b:s3+s2], $0x80, v3, vm0, $0xb8;
	[tilespmem:$0xC080] =	vst v63  }
0x7e: {  	_ = 	snop  }
0x7f: {  	[tilespmem:s13], [sflag:$0x1] =	stream.indirect_vreg.gather [hbm4b:s4+s2], $0x80, v3, vm0, $0xb8;
	[tilespmem:$0xC080] =	vst v63  }
0x80: {  	_ = 	snop  }
0x81: {  	[tilespmem:s14], [sflag:$0x1] =	stream.indirect_vreg.gather [hbm4b:s5+s2], $0x80, v3, vm0, $0xb8;
	[tilespmem:$0xC080] =	vst v63  }
0x82: {  	v3 =	vld [tilespmem:$0x10];
	_ =	sdelay $0x4  }
0x83: {  	v61 =	vshrl.u32 v3, $0x3  }
0x84: {  	v4 =	vmul.u32 $0x30, v61  }
0x85: {  	v3 =	vand.u32 $0x7, v3  }
0x86: {  	v3 =	vor.u32 v3, v4  }
0x87: {  	v4 =	vperm.xlane v3, v0;
	_ =	sdelay $0x1  }
0x88: {  	v4 =	vadd.s32 v1, v4;
	_ =	sdelay $0x3  }
0x89: {  	v3 =	vperm.xlane v3, v2  }
0x8a: {  	[tilespmem:s15], [sflag:$0x1] =	stream.indirect_vreg.gather [hbm4b:s3+s2], $0x80, v4, vm0, $0xb8;
	[tilespmem:$0xC080] =	vst v63  }
0x8b: {  	v3 =	vadd.s32 v1, v3  }
0x8c: {  	[tilespmem:s16], [sflag:$0x1] =	stream.indirect_vreg.gather [hbm4b:s4+s2], $0x80, v4, vm0, $0xb8;
	[tilespmem:$0xC080] =	vst v63  }
0x8d: {  	_ = 	snop  }
0x8e: {  	[tilespmem:s17], [sflag:$0x1] =	stream.indirect_vreg.gather [hbm4b:s5+s2], $0x80, v4, vm0, $0xb8;
	[tilespmem:$0xC080] =	vst v63  }
0x8f: {  	_ = 	snop  }
0x90: {  	[tilespmem:s18], [sflag:$0x1] =	stream.indirect_vreg.gather [hbm4b:s3+s2], $0x80, v3, vm0, $0xb8;
	[tilespmem:$0xC080] =	vst v63  }
0x91: {  	_ = 	snop  }
0x92: {  	[tilespmem:s19], [sflag:$0x1] =	stream.indirect_vreg.gather [hbm4b:s4+s2], $0x80, v3, vm0, $0xb8;
	[tilespmem:$0xC080] =	vst v63  }
0x93: {  	_ = 	snop  }
0x94: {  	[tilespmem:s20], [sflag:$0x1] =	stream.indirect_vreg.gather [hbm4b:s5+s2], $0x80, v3, vm0, $0xb8;
	[tilespmem:$0xC080] =	vst v63  }
0x95: {  	v3 =	vld [tilespmem:$0x20];
	_ =	sdelay $0x4  }
0x96: {  	v62 =	vshrl.u32 v3, $0x3  }
0x97: {  	v4 =	vmul.u32 $0x30, v62  }
0x98: {  	v3 =	vand.u32 $0x7, v3  }
0x99: {  	v3 =	vor.u32 v3, v4  }
0x9a: {  	v4 =	vperm.xlane v3, v0;
	_ =	sdelay $0x1  }
0x9b: {  	v4 =	vadd.s32 v1, v4;
	_ =	sdelay $0x3  }
0x9c: {  	v3 =	vperm.xlane v3, v2  }
0x9d: {  	[tilespmem:s21], [sflag:$0x1] =	stream.indirect_vreg.gather [hbm4b:s3+s2], $0x80, v4, vm0, $0xb8;
	[tilespmem:$0xC080] =	vst v63  }
0x9e: {  	v3 =	vadd.s32 v1, v3  }
0x9f: {  	[tilespmem:s22], [sflag:$0x1] =	stream.indirect_vreg.gather [hbm4b:s4+s2], $0x80, v4, vm0, $0xb8;
	[tilespmem:$0xC080] =	vst v63  }
0xa0: {  	_ = 	snop  }
0xa1: {  	[tilespmem:s23], [sflag:$0x1] =	stream.indirect_vreg.gather [hbm4b:s5+s2], $0x80, v4, vm0, $0xb8;
	[tilespmem:$0xC080] =	vst v63  }
0xa2: {  	_ = 	snop  }
0xa3: {  	[tilespmem:s24], [sflag:$0x1] =	stream.indirect_vreg.gather [hbm4b:s3+s2], $0x80, v3, vm0, $0xb8;
	[tilespmem:$0xC080] =	vst v63  }
0xa4: {  	_ = 	snop  }
0xa5: {  	[tilespmem:s25], [sflag:$0x1] =	stream.indirect_vreg.gather [hbm4b:s4+s2], $0x80, v3, vm0, $0xb8;
	[tilespmem:$0xC080] =	vst v63  }
0xa6: {  	_ = 	snop  }
0xa7: {  	[tilespmem:s26], [sflag:$0x1] =	stream.indirect_vreg.gather [hbm4b:s5+s2], $0x80, v3, vm0, $0xb8;
	[tilespmem:$0xC080] =	vst v63  }
0xa8: {  	v3 =	vld [tilespmem:$0x30];
	_ =	sdelay $0x4  }
0xa9: {  	v63 =	vshrl.u32 v3, $0x3  }
0xaa: {  	v4 =	vmul.u32 $0x30, v63  }
0xab: {  	v3 =	vand.u32 $0x7, v3  }
0xac: {  	v3 =	vor.u32 v3, v4  }
0xad: {  	v4 =	vperm.xlane v3, v0;
	_ =	sdelay $0x1  }
0xae: {  	v4 =	vadd.s32 v1, v4;
	_ =	sdelay $0x3  }
0xaf: {  	v3 =	vperm.xlane v3, v2  }
0xb0: {  	[tilespmem:s28], [sflag:$0x1] =	stream.indirect_vreg.gather [hbm4b:s3+s2], $0x80, v4, vm0, $0xb8;
	[tilespmem:$0xC080] =	vst v63  }
0xb1: {  	v3 =	vadd.s32 v1, v3  }
0xb2: {  	[tilespmem:s29], [sflag:$0x1] =	stream.indirect_vreg.gather [hbm4b:s4+s2], $0x80, v4, vm0, $0xb8;
	[tilespmem:$0xC080] =	vst v63  }
0xb3: {  	_ = 	snop  }
0xb4: {  	[tilespmem:s30], [sflag:$0x1] =	stream.indirect_vreg.gather [hbm4b:s5+s2], $0x80, v4, vm0, $0xb8;
	[tilespmem:$0xC080] =	vst v63  }
0xb5: {  	_ = 	snop  }
0xb6: {  	[tilespmem:s31], [sflag:$0x1] =	stream.indirect_vreg.gather [hbm4b:s3+s2], $0x80, v3, vm0, $0xb8;
	[tilespmem:$0xC080] =	vst v63  }
0xb7: {  	s9 =	simm.s32 $0xB080  }
0xb8: {  	[tilespmem:s9], [sflag:$0x1] =	stream.indirect_vreg.gather [hbm4b:s4+s2], $0x80, v3, vm0, $0xb8;
	[tilespmem:$0xC080] =	vst v63  }
0xb9: {  	_ = 	snop  }
0xba: {  	[tilespmem:s8], [sflag:$0x1] =	stream.indirect_vreg.gather [hbm4b:s5+s2], $0x80, v3, vm0, $0xb8;
	[tilespmem:$0xC080] =	vst v63  }
0xbb: {  	_ =	swait.ge [sflag:s0], $0xC000  }
0xbc: {  	p0 =	sne.s32 s6, $0x1;
	[sflag:s0] =	ssyncset.done $0x0  }
.Ltmp0:
0xbd: {  	s8 =	rddreg [dreg:$0x5];
	[sflag:s0] =	ssyncadd.s32 $0xFFFF4000;
	(pc) =	sbr.rel @p0 .LBB2_1-.Ltmp0, $4  }
0xbe: {  	[hbm4b:s8+s2] =	stream.linear.scatter [tilespmem:s1], [sflag:$0x2], $0xC000, $0x38;
	[tilespmem:$0xC080] =	vst v63  }
0xbf: {  	_ =	swait.ge [sflag:s7], $0xC000  }
0xc0: {  	[sflag:s7] =	ssyncset.done $0x0  }
0xc1: {  	s6 =	sadd.s32 $0xFFFFFFFF, s6;
	[sflag:s7] =	ssyncadd.s32 $0xFFFF4000  }
0xc2: {  	_ =	sfence.sel $0x180000  }
0xc3: {  	[bflag:$0x0] =	sbarrier.arrive $0xFFFF  }
0xc4: {  	_ =	strace $0x9000004A  }
0xc5: {  	s0 =	stileid.u32;
	[bflag:$0x2] =	sbarrier.arrive $0xFFFF  }
0xc6: {  	p0 =	sne.s32 s0, $0x0;
	s0 =	rddreg [dreg:$0x1]  }
0xc7: {  	s0 =	sadd.s32 @!p0 $0x100000, s0  }
0xc8: {  	[sflag:s0] =	ssyncadd.tile.s32 @!p0 $0x1;
	_ =	shalt  }
.Lfunc_end2:
_tile_overlayer_lowered:
.L_overlay_start_2:
0xc9: {  	(tag) =	ssettag $0x2  }
0xca: {  	s0 =	rddreg [dreg:$0x0];
	s2 =	stileid.u32  }
0xcb: {  	s1 =	rddreg [dreg:$0x1];
	p0 =	sne.s32 s2, $0x0  }
0xcc: {  	s3 =	rddreg [dreg:$0x2];
	[bflag:$0x3] =	sbarrier.arrive $0xFFFF;
	s2 =	simm.s32 @!p0 $0x1C02  }
0xcd: {  	[timem:s3], [sflag:s2] =	dma.local @!p0 [hbm:s0], s1  }
0xce: {  	s0 =	simm.s32 @!p0 $0x2  }
0xcf: {  	_ =	swait.ge @!p0 [sflag:s0], s1  }
0xd0: {  	s1 =	ssub.s32 @!p0 $0x0, s1;
	[sflag:s0] =	ssyncset.done @!p0 $0x0  }
0xd1: {  	[sflag:s0] =	ssyncadd.s32 @!p0 s1  }
0xd2: {  	[bflag:$0x3] =	sbarrier.arrive $0xFFFF  }
0xd3: {  	_ =	shalt  }

// kernel: kernel.9.cloned.1.call-start
scs
__scs_entry_jumppad:
0x0: {  	(pc) =	sbr.rel $0x88, $3  }
0x1: {  	(tag) =	ssettag $0x0;
	lr =	simm.s32 $0x1  }
0x2: {  	[smem:$0x3F91] =	sst lr;
	_ =	strace $0xD0000000  }
0x3: {  	_ = 	snop  }
0x4: {  	_ = 	snop  }
0x5: {  	_ = 	snop  }
0x6: {  	_ = 	snop  }
0x7: {  	_ = 	snop  }
__scs_overlays_trampoline_lowered:
0x8: {  	[smem:$0x3FA0] =	sst s0  }
0x9: {  	[smem:$0x3FA1] =	sst s1  }
0xa: {  	[smem:$0x3FA2] =	sst s2  }
0xb: {  	[smem:$0x3FA3] =	sst s3  }
0xc: {  	[smem:$0x3FA4] =	sst s4  }
0xd: {  	[smem:$0x3FA5] =	sst s5  }
0xe: {  	[smem:$0x3FA6] =	sst s6  }
0xf: {  	[smem:$0x3FA7] =	sst s7  }
0x10: {  	[smem:$0x3FA8] =	sst s8  }
0x11: {  	[smem:$0x3FA9] =	sst s9;
	s0 =	simm.s32 @!p0 $0x0  }
0x12: {  	s1 =	sld [smem:$0x3F8F];
	s0 =	simm.s32 @p0 $0x1  }
0x13: {  	[smem:$0x3FAA] =	sst s0;
	s0 =	simm.s32 @!p1 $0x0  }
0x14: {  	s2 =	sld [smem:$0x3F8E];
	s0 =	simm.s32 @p1 $0x1  }
0x15: {  	[smem:$0x3FAB] =	sst s0;
	s0 =	simm.s32 @!p2 $0x0  }
0x16: {  	s3 =	sld [smem:$0x3FDB];
	s0 =	simm.s32 @p2 $0x1  }
0x17: {  	s4 =	simm.s32 $0x1BF5;
	[smem:$0x3FAD] =	sst s0  }
0x18: {  	s0 =	sld [smem:$0x3F90];
	_ =	swait.ge [sflag:s4], $0x0  }
0x19: {  	s7 =	sld [smem:$0x3F91]  }
0x1a: {  	s8 =	sadd.s32 $0xFFFFE003, lr  }
0x1b: {  	s9 =	sadd.s32 $0xFFFFFEF7, lr;
	s5 =	simm.s32 $0xFFFFFFFF;
	p2 =	slt.u32 s8, $0xFFFFF086  }
0x1c: {  	p1 =	slt.u32 s9, $0xF7A;
	s5 =	simm.s32 @!p2 $0x0  }
0x1d: {  	s5 =	simm.s32 @p1 $0x1;
	p0 =	seq.s32 s7, s2  }
0x1e: {  	s7 =	smul.u32 @!p0 $0xF7A, s2;
	p2 =	seq.s32 @!p0 s5, $0x0  }
0x1f: {  	s9 =	smul.u32 $0xF7A, s1;
	s8 =	simm.s32 @!p0 $0x1BF5;
	p2 =	por !p2, p0  }
0x20: {  	[sflag:s8] =	ssyncset.s32 @!p0 $0xFFFFF086;
	s6 =	sadd.s32 @!p0 s3, s7;
	s7 =	simm.s32 @!p0 $0x108  }
0x21: {  	s3 =	sadd.s32 s3, s9;
	s6 =	sadd.s32 @!p0 $0x88, s6;
	s7 =	simm.s32 @p2 $0x1082  }
0x22: {  	[simem:s7], [sflag:s8] =	dma.local @!p0 [hbm:s6], $0xF7A  }
0x23: {  	s9 =	sor.u32 $0xD0000000, s2;
	s6 =	simm.s32 $0x108;
	_ =	swait.ge @!p0 [sflag:s8], $0x0  }
0x24: {  	s3 =	sadd.s32 $0x88, s3;
	s6 =	simm.s32 @!p1 $0x1082;
	[sflag:s4] =	ssyncset.s32 $0xFFFFF086  }
0x25: {  	[simem:s6], [sflag:s4] =	dma.local [hbm:s3], $0xF7A  }
0x26: {  	[smem:$0x3F91] =	sst s1;
	(tag) =	ssettag s2;
	_ =	strace s9  }
0x27: {  	s1 =	sld [smem:$0x3FA1]  }
0x28: {  	s2 =	sld [smem:$0x3FA2]  }
0x29: {  	s4 =	sld [smem:$0x3FA4]  }
0x2a: {  	p0 =	seq.s32 s5, $0x0;
	s5 =	sld [smem:$0x3FA5]  }
0x2b: {  	s6 =	sld [smem:$0x3FA6]  }
0x2c: {  	s7 =	sld [smem:$0x3FA7]  }
0x2d: {  	s3 =	simm.s32 $0x108;
	s8 =	sld [smem:$0x3FA8]  }
0x2e: {  	s3 =	simm.s32 @!p0 $0x1082;
	s9 =	sld [smem:$0x3FA9]  }
0x2f: {  	lr =	sadd.s32 s0, s3;
	s0 =	sld [smem:$0x3FA0]  }
0x30: {  	s3 =	sld [smem:$0x3FA3]  }
0x31: {  	[smem:$0x3FAC] =	sst s10  }
0x32: {  	s10 =	sld [smem:$0x3FAA];
	_ =	sdelay $0x3  }
0x33: {  	p0 =	seq.s32 s10, $0x1;
	s10 =	sld [smem:$0x3FAC];
	_ =	sdelay $0x3  }
0x34: {  	[smem:$0x3FAC] =	sst s10  }
0x35: {  	s10 =	sld [smem:$0x3FAB];
	_ =	sdelay $0x3  }
0x36: {  	p1 =	seq.s32 s10, $0x1;
	s10 =	sld [smem:$0x3FAC];
	_ =	sdelay $0x3  }
0x37: {  	[smem:$0x3FAC] =	sst s10  }
0x38: {  	s10 =	sld [smem:$0x3FAD]  }
0x39: {  	_ = 	snop;
	(pc) =	sbr.ind lr, $3  }
0x3a: {  	_ = 	snop  }
0x3b: {  	_ = 	snop  }
0x3c: {  	p2 =	seq.s32 s10, $0x1;
	s10 =	sld [smem:$0x3FAC]  }
0x3d: {  	_ =	shalt  }
0x3e: {  	_ =	shalt  }
0x3f: {  	_ =	shalt  }
0x40: {  	_ =	shalt  }
0x41: {  	_ =	shalt  }
0x42: {  	_ =	shalt  }
0x43: {  	_ =	shalt  }
0x44: {  	_ =	shalt  }
0x45: {  	_ =	shalt  }
0x46: {  	_ =	shalt  }
0x47: {  	_ =	shalt  }
0x48: {  	_ =	shalt  }
0x49: {  	_ =	shalt  }
0x4a: {  	_ =	shalt  }
0x4b: {  	_ =	shalt  }
0x4c: {  	_ =	shalt  }
0x4d: {  	_ =	shalt  }
0x4e: {  	_ =	shalt  }
0x4f: {  	_ =	shalt  }
0x50: {  	_ =	shalt  }
0x51: {  	_ =	shalt  }
0x52: {  	_ =	shalt  }
0x53: {  	_ =	shalt  }
0x54: {  	_ =	shalt  }
0x55: {  	_ =	shalt  }
0x56: {  	_ =	shalt  }
0x57: {  	_ =	shalt  }
0x58: {  	_ =	shalt  }
0x59: {  	_ =	shalt  }
0x5a: {  	_ =	shalt  }
0x5b: {  	_ =	shalt  }
0x5c: {  	_ =	shalt  }
0x5d: {  	_ =	shalt  }
0x5e: {  	_ =	shalt  }
0x5f: {  	_ =	shalt  }
0x60: {  	_ =	shalt  }
0x61: {  	_ =	shalt  }
0x62: {  	_ =	shalt  }
0x63: {  	_ =	shalt  }
0x64: {  	_ =	shalt  }
0x65: {  	_ =	shalt  }
0x66: {  	_ =	shalt  }
0x67: {  	_ =	shalt  }
0x68: {  	_ =	shalt  }
0x69: {  	_ =	shalt  }
0x6a: {  	_ =	shalt  }
0x6b: {  	_ =	shalt  }
0x6c: {  	_ =	shalt  }
0x6d: {  	_ =	shalt  }
0x6e: {  	_ =	shalt  }
0x6f: {  	_ =	shalt  }
0x70: {  	_ =	shalt  }
0x71: {  	_ =	shalt  }
0x72: {  	_ =	shalt  }
0x73: {  	_ =	shalt  }
0x74: {  	_ =	shalt  }
0x75: {  	_ =	shalt  }
0x76: {  	_ =	shalt  }
0x77: {  	_ =	shalt  }
0x78: {  	_ =	shalt  }
0x79: {  	_ =	shalt  }
0x7a: {  	_ =	shalt  }
0x7b: {  	_ =	shalt  }
0x7c: {  	_ =	shalt  }
0x7d: {  	_ =	shalt  }
0x7e: {  	_ =	shalt  }
0x7f: {  	_ =	shalt  }
0x80: {  	_ =	shalt  }
0x81: {  	_ =	shalt  }
0x82: {  	_ =	shalt  }
0x83: {  	_ =	shalt  }
0x84: {  	_ =	shalt  }
0x85: {  	_ =	shalt  }
0x86: {  	_ =	shalt  }
0x87: {  	_ =	shalt  }
.Lfunc_end0:
.L_simem_size_0:
called_computation_lowered:
.L_overlay_start_0:
0x88: {  	s2 =	sld [smem:$0x3FD9]  }
0x89: {  	s3 =	sld [smem:$0x3FFE];
	_ =	sdelay $0x1  }
0x8a: {  	s1 =	srdreg.scid  }
0x8b: {  	s0 =	sand.u32 $0x1, s1  }
0x8c: {  	s16 =	sshll.u32 s0, $0xA;
	s2 =	sadd.s32 s3, s2  }
0x8d: {  	s2 =	sadd.s32 s2, s16  }
0x8e: {  	[smem:$0x3FB8] =	sst s2  }
0x8f: {  	_ = 	snop  }
0x90: {  	(tm) =	ssettm $0x1  }
0x91: {  	s17 =	sld [smem:$0x3FFB];
	_ =	sdelay $0x3  }
0x92: {  	_ =	strace s17  }
0x93: {  	s2 =	sld [smem:$0x3FFC];
	_ =	sdelay $0x3  }
0x94: {  	_ =	strace s2  }
0x95: {  	s2 =	sld [smem:$0x3FFD];
	_ =	sdelay $0x3  }
0x96: {  	_ =	strace s2  }
0x97: {  	_ =	strace $0x8FFFFFFF  }
0x98: {  	s18 =	sld [smem:$0x3FDB];
	_ =	sdelay $0x1  }
0x99: {  	s19 =	simm.s32 $_scs_section_size  }
0x9a: {  	s4 =	simm.s32 $_size__tile_overlayer_lowered;
	s5 =	simm.s32 $_tile_overlayer_lowered  }
0x9b: {  	s22 =	simm.s32 $0x1BFF;
	s21 =	sshll.u32 s5, $0x1;
	s2 =	sadd.s32 s19, s18  }
0x9c: {  	s6 =	simm.s32 $0x0;
	s20 =	sshll.u32 s4, $0x1;
	s4 =	sadd.s32 s21, s2  }
0x9d: {  	[timem:s6], [sflag:s22] =	dma.local [hbm:s4], s20  }
0x9e: {  	_ =	swait.ge [sflag:s22], s20  }
0x9f: {  	s3 =	ssub.s32 $0x0, s20;
	[sflag:s22] =	ssyncset.done $0x0  }
0xa0: {  	[sflag:s22] =	ssyncadd.s32 s3;
	_ =	sdelay $0x1  }
0xa1: {  	s23 =	simm.s32 $0x1B8B  }
0xa2: {  	_ =	swait.ge [sflag:s23], $0x1  }
0xa3: {  	[sflag:s23] =	ssyncset.done $0x0  }
0xa4: {  	s25 =	simm.s32 $0x1B8E;
	s24 =	sld [smem:$0x3FFE];
	[sflag:s23] =	ssyncadd.s32 $0xFFFFFFFF  }
0xa5: {  	s26 =	simm.s32 $execute0_lowered;
	[smem:$0x3FD2] =	sst s25  }
0xa6: {  	s4 =	sshll.u32 s26, $0x1;
	_ =	strace $0x80000046;
	[dreg:$0x1] =	wrdreg $0xFFFFFFFF  }
0xa7: {  	s28 =	simm.s32 $_size_execute0_lowered;
	s2 =	sadd.s32 s2, s4;
	[dreg:$0x0] =	wrdreg $0x0  }
0xa8: {  	s4 =	sshll.u32 s28, $0x1;
	[dreg:$0x2] =	wrdreg s2  }
0xa9: {  	[dreg:$0x3] =	wrdreg s4  }
0xaa: {  	[dreg:$0x4] =	wrdreg $0xC0  }
0xab: {  	_ =	task [dreg:s6], $0x5FFFF  }
0xac: {  	[dreg:$0x1] =	wrdreg $0xFFFFFFFF  }
0xad: {  	[dreg:$0x0] =	wrdreg $0x60  }
0xae: {  	[dreg:$0x2] =	wrdreg s24  }
0xaf: {  	[dreg:$0x3] =	wrdreg $0x9  }
0xb0: {  	_ =	task.clear_ibuf [dreg:s6], $0x4FFFF;
	_ =	strace $0x90000046  }
0xb1: {  	s29 =	simm.s32 $0x9;
	_ =	strace $0x80000048  }
0xb2: {  	_ =	swait.ge [sflag:s29], $0x1  }
0xb3: {  	[sflag:s29] =	ssyncadd.s32 $0xFFFFFFFF  }
0xb4: {  	_ =	strace $0x90000048  }
0xb5: {  	_ =	sfence  }
0xb6: {  	s30 =	sld [smem:$0x0];
	_ =	sdelay $0x2  }
0xb7: {  	s31 =	sshll.u32 s1, $0xD;
	s1 =	sshrl.u32 s1, $0x2  }
0xb8: {  	s3 =	sand.u32 $0x4000, s31;
	s1 =	sadd.s32 s1, s30  }
0xb9: {  	s0 =	sor.u32 s3, s0;
	s1 =	sshll.u32 s1, $0x11  }
0xba: {  	s0 =	sor.u32 s1, s0  }
0xbb: {  	s0 =	sadd.s32 $0x8F2B, s0  }
0xbc: {  	[sflag:s0] =	ssyncadd.remote.s32 $0x1  }
0xbd: {  	_ =	sfence.sel $0xFFFF  }
0xbe: {  	[dreg:$0x0] =	wrdreg $0xFFFFFFFF;
	(pc) =	sbr.abs _section_cstart, $3  }
0xbf: {  	[dreg:$0x1] =	wrdreg $0xFFFFFFFF  }
0xc0: {  	_ =	task.clear_ibuf [dreg:s6], $0x2FFFF;
	_ =	strace $0x9FFFFFFF  }
0xc1: {  	(tm) =	ssettm $0x7FFFFFFF  }
tec
execute0_lowered:
.L_overlay_start_1:
0x0: {  	(tag) =	ssettag $0x1  }
0x1: {  	s0 =	srdreg.scid  }
0x2: {  	s1 =	stileid.u32;
	s5 =	rddreg [dreg:$0x0];
	s2 =	simm.s32 $0x0  }
0x3: {  	s9 =	simm.s32 $0x200;
	s12 =	simm.s32 $0x1A00;
	s13 =	simm.s32 $0x2200  }
0x4: {  	s14 =	simm.s32 $0x2A00;
	s15 =	simm.s32 $0x3200;
	s16 =	simm.s32 $0x3A00  }
0x5: {  	s17 =	simm.s32 $0x4200;
	s18 =	simm.s32 $0x4A00;
	s19 =	simm.s32 $0x5200  }
0x6: {  	s20 =	simm.s32 $0x5A00;
	s21 =	simm.s32 $0x6200;
	s28 =	simm.s32 $0x9200  }
0x7: {  	s29 =	simm.s32 $0x9A00;
	s30 =	simm.s32 $0xA200;
	s31 =	simm.s32 $0xAA00  }
0x8: {  	s0 =	sand.u32 $0x1, s0;
	s1 =	sshll.u32 s1, $0x1;
	[smem:$0x7FF] =	sst s2  }
0x9: {  	s8 =	simm.s32 $0x1;
	s1 =	sor.u32 s0, s1;
	_ =	strace $0x80000047  }
0xa: {  	s0 =	ssub.s32 $0x2, s0;
	s3 =	sshll.u32 s1, $0x3;
	s22 =	smul.u32 $0x1800, s1  }
0xb: {  	s25 =	sshrl.u32 s0, $0x1;
	s1 =	sor.u32 $0x2000, s1;
	s4 =	sadd.s32 s3, s5  }
0xc: {  	s3 =	sadd.s32 $0x41C00, s5;
	s0 =	ssub.s32 s0, s25;
	s6 =	sadd.s32 $0x41400, s4  }
0xd: {  	s25 =	simm.s32 $0x8200;
	s23 =	sadd.s32 $0x41800, s4;
	[dreg:$0x2] =	wrdreg s6  }
0xe: {  	v0 =	vmov s1;
	s1 =	simm.s32 $0xB200;
	s24 =	sadd.s32 $0x41600, s4;
	[dreg:$0x3] =	wrdreg s23  }
0xf: {  	s7 =	sadd.s32 s22, s5;
	s4 =	sadd.s32 $0x41A00, s4;
	[dreg:$0x4] =	wrdreg s24  }
0x10: {  	s22 =	simm.s32 $0x6A00;
	[dreg:$0x5] =	wrdreg s4;
	s26 =	sadd.s32 $0x1400, s7  }
0x11: {  	v3 =	vlaneseq.u32;
	s4 =	sadd.s32 $0x41D00, s5;
	s5 =	sadd.s32 $0x41E00, s5;
	s6 =	smax.u32 s0, $0x1  }
0x12: {  	vm0 =	vmmov $0xffff;
	v2 =	vshrl.u32 v3, $0x3;
	s7 =	simm.s32 $0x2;
	s23 =	simm.s32 $0x7200;
	s24 =	simm.s32 $0x7A00  }
0x13: {  	v1 =	vand.u32 $0x7, v3;
	v3 =	vor.u32 $0x8, v3;
	v2 =	vmul.u32 $0x8, v2;
	s0 =	simm.s32 $0xBA00;
	[dreg:$0x6] =	wrdreg s26;
	s26 =	simm.s32 $0x8A00  }
.LBB2_1:
0x14: {  	s10 =	rddreg [dreg:$0x2]  }
0x15: {  	[tilespmem:s2], [sflag:$0x2] =	stream.linear.gather [hbm4b:s10+s2], $0x40, $0x38;
	[tilespmem:$0xC200] =	vst v63  }
0x16: {  	_ =	swait.ge [sflag:s7], $0x40  }
0x17: {  	[sflag:s7] =	ssyncset.done $0x0  }
0x18: {  	s11 =	simm.s32 $0x80;
	s10 =	rddreg [dreg:$0x3];
	[sflag:s7] =	ssyncadd.s32 $0xFFFFFFC0  }
0x19: {  	[tilespmem:s11], [sflag:$0x2] =	stream.linear.gather [hbm4b:s10+s2], $0x40, $0x38;
	[tilespmem:$0xC200] =	vst v63  }
0x1a: {  	_ =	swait.ge [sflag:s7], $0x40  }
0x1b: {  	[sflag:s7] =	ssyncset.done $0x0  }
0x1c: {  	[sflag:s7] =	ssyncadd.s32 $0xFFFFFFC0  }
0x1d: {  	v4 =	vld [tilespmem:$0x0]  }
0x1e: {  	v5 =	vld [tilespmem:$0x80]  }
0x1f: {  	v6 =	vld [tilespmem:$0x10]  }
0x20: {  	v7 =	vld [tilespmem:$0x90]  }
0x21: {  	v8 =	vld [tilespmem:$0x20]  }
0x22: {  	v9 =	vld [tilespmem:$0xA0]  }
0x23: {  	v10 =	vld [tilespmem:$0xB0]  }
0x24: {  	v11 =	vld [tilespmem:$0x30]  }
0x25: {  	vm1 =	vgt.s32 v5, $0x0  }
0x26: {  	v4 =	vsel vm1, v4, v0;
	vm1 =	vgt.s32 v7, $0x0  }
0x27: {  	[tilespmem:$0x100] =	vst v4;
	v4 =	vsel vm1, v6, v0;
	vm1 =	vgt.s32 v9, $0x0  }
0x28: {  	[tilespmem:$0x110] =	vst v4;
	v4 =	vsel vm1, v8, v0;
	vm1 =	vgt.s32 v10, $0x0  }
0x29: {  	[tilespmem:$0x120] =	vst v4;
	v4 =	vsel vm1, v11, v0  }
0x2a: {  	s10 =	rddreg [dreg:$0x4];
	[tilespmem:$0x130] =	vst v4  }
0x2b: {  	[tilespmem:s2], [sflag:$0x2] =	stream.linear.gather [hbm4b:s10+s2], $0x40, $0x38;
	[tilespmem:$0xC200] =	vst v63  }
0x2c: {  	_ =	swait.ge [sflag:s7], $0x40  }
0x2d: {  	[sflag:s7] =	ssyncset.done $0x0  }
0x2e: {  	s10 =	rddreg [dreg:$0x5];
	[sflag:s7] =	ssyncadd.s32 $0xFFFFFFC0  }
0x2f: {  	[tilespmem:s11], [sflag:$0x2] =	stream.linear.gather [hbm4b:s10+s2], $0x40, $0x38;
	[tilespmem:$0xC200] =	vst v63  }
0x30: {  	_ =	swait.ge [sflag:s7], $0x40  }
0x31: {  	[sflag:s7] =	ssyncset.done $0x0  }
0x32: {  	[sflag:s7] =	ssyncadd.s32 $0xFFFFFFC0  }
0x33: {  	v4 =	vld [tilespmem:$0x0]  }
0x34: {  	v5 =	vld [tilespmem:$0x80]  }
0x35: {  	v58 =	vld [tilespmem:$0x10]  }
0x36: {  	v59 =	vld [tilespmem:$0x90]  }
0x37: {  	v60 =	vld [tilespmem:$0x20]  }
0x38: {  	v61 =	vld [tilespmem:$0xA0]  }
0x39: {  	v62 =	vld [tilespmem:$0xB0]  }
0x3a: {  	v63 =	vld [tilespmem:$0x30]  }
0x3b: {  	vm1 =	vgt.s32 v5, $0x0  }
0x3c: {  	v4 =	vsel vm1, v4, v0;
	vm1 =	vgt.s32 v59, $0x0  }
0x3d: {  	[tilespmem:$0x180] =	vst v4;
	v4 =	vsel vm1, v58, v0;
	vm1 =	vgt.s32 v61, $0x0  }
0x3e: {  	[tilespmem:$0x190] =	vst v4;
	v4 =	vsel vm1, v60, v0;
	vm1 =	vgt.s32 v62, $0x0  }
0x3f: {  	[tilespmem:$0x1A0] =	vst v4;
	v4 =	vsel vm1, v63, v0  }
0x40: {  	s11 =	rddreg [dreg:$0x6];
	[tilespmem:$0x1B0] =	vst v4  }
0x41: {  	[tilespmem:s9], [sflag:$0x2] =	stream.linear.gather [hbm4b:s11+s2], $0xC000, $0x38;
	[tilespmem:$0xC200] =	vst v63  }
0x42: {  	_ =	swait.ge [sflag:s7], $0xC000  }
0x43: {  	[sflag:s7] =	ssyncset.done $0x0  }
0x44: {  	[sflag:s7] =	ssyncadd.s32 $0xFFFF4000  }
0x45: {  	v4 =	vld [tilespmem:$0x100];
	_ =	sdelay $0x4  }
0x46: {  	v5 =	vshrl.u32 v4, $0x3  }
0x47: {  	v5 =	vmul.u32 $0x30, v5  }
0x48: {  	v4 =	vand.u32 $0x7, v4  }
0x49: {  	v4 =	vor.u32 v4, v5  }
0x4a: {  	v5 =	vperm.xlane v4, v1;
	_ =	sdelay $0x1  }
0x4b: {  	v5 =	vadd.s32 v2, v5;
	_ =	sdelay $0x3  }
0x4c: {  	v4 =	vperm.xlane v4, v3  }
0x4d: {  	[hbm4b:s3+s2] =	stream.indirect_vreg.scatter [tilespmem:s9], [sflag:$0x1], $0x80, v5, vm0, $0xb8;
	[tilespmem:$0xC200] =	vst v63  }
0x4e: {  	s10 =	simm.s32 $0xA00;
	v4 =	vadd.s32 v2, v4  }
0x4f: {  	[hbm4b:s4+s2] =	stream.indirect_vreg.scatter [tilespmem:s10], [sflag:$0x1], $0x80, v5, vm0, $0xb8;
	[tilespmem:$0xC200] =	vst v63  }
0x50: {  	s11 =	simm.s32 $0x1200  }
0x51: {  	[hbm4b:s5+s2] =	stream.indirect_vreg.scatter [tilespmem:s11], [sflag:$0x1], $0x80, v5, vm0, $0xb8;
	[tilespmem:$0xC200] =	vst v63  }
0x52: {  	_ = 	snop  }
0x53: {  	[hbm4b:s3+s2] =	stream.indirect_vreg.scatter [tilespmem:s12], [sflag:$0x1], $0x80, v4, vm0, $0xb8;
	[tilespmem:$0xC200] =	vst v63  }
0x54: {  	_ = 	snop  }
0x55: {  	[hbm4b:s4+s2] =	stream.indirect_vreg.scatter [tilespmem:s13], [sflag:$0x1], $0x80, v4, vm0, $0xb8;
	[tilespmem:$0xC200] =	vst v63  }
0x56: {  	_ = 	snop  }
0x57: {  	[hbm4b:s5+s2] =	stream.indirect_vreg.scatter [tilespmem:s14], [sflag:$0x1], $0x80, v4, vm0, $0xb8;
	[tilespmem:$0xC200] =	vst v63  }
0x58: {  	v4 =	vld [tilespmem:$0x110];
	_ =	sdelay $0x4  }
0x59: {  	v5 =	vshrl.u32 v4, $0x3  }
0x5a: {  	v5 =	vmul.u32 $0x30, v5  }
0x5b: {  	v4 =	vand.u32 $0x7, v4  }
0x5c: {  	v4 =	vor.u32 v4, v5  }
0x5d: {  	v5 =	vperm.xlane v4, v1;
	_ =	sdelay $0x1  }
0x5e: {  	v5 =	vadd.s32 v2, v5;
	_ =	sdelay $0x3  }
0x5f: {  	v4 =	vperm.xlane v4, v3  }
0x60: {  	[hbm4b:s3+s2] =	stream.indirect_vreg.scatter [tilespmem:s15], [sflag:$0x1], $0x80, v5, vm0, $0xb8;
	[tilespmem:$0xC200] =	vst v63  }
0x61: {  	v4 =	vadd.s32 v2, v4  }
0x62: {  	[hbm4b:s4+s2] =	stream.indirect_vreg.scatter [tilespmem:s16], [sflag:$0x1], $0x80, v5, vm0, $0xb8;
	[tilespmem:$0xC200] =	vst v63  }
0x63: {  	_ = 	snop  }
0x64: {  	[hbm4b:s5+s2] =	stream.indirect_vreg.scatter [tilespmem:s17], [sflag:$0x1], $0x80, v5, vm0, $0xb8;
	[tilespmem:$0xC200] =	vst v63  }
0x65: {  	_ = 	snop  }
0x66: {  	[hbm4b:s3+s2] =	stream.indirect_vreg.scatter [tilespmem:s18], [sflag:$0x1], $0x80, v4, vm0, $0xb8;
	[tilespmem:$0xC200] =	vst v63  }
0x67: {  	_ = 	snop  }
0x68: {  	[hbm4b:s4+s2] =	stream.indirect_vreg.scatter [tilespmem:s19], [sflag:$0x1], $0x80, v4, vm0, $0xb8;
	[tilespmem:$0xC200] =	vst v63  }
0x69: {  	_ = 	snop  }
0x6a: {  	[hbm4b:s5+s2] =	stream.indirect_vreg.scatter [tilespmem:s20], [sflag:$0x1], $0x80, v4, vm0, $0xb8;
	[tilespmem:$0xC200] =	vst v63  }
0x6b: {  	v4 =	vld [tilespmem:$0x120];
	_ =	sdelay $0x4  }
0x6c: {  	v5 =	vshrl.u32 v4, $0x3  }
0x6d: {  	v5 =	vmul.u32 $0x30, v5  }
0x6e: {  	v4 =	vand.u32 $0x7, v4  }
0x6f: {  	v4 =	vor.u32 v4, v5  }
0x70: {  	v5 =	vperm.xlane v4, v1;
	_ =	sdelay $0x1  }
0x71: {  	v5 =	vadd.s32 v2, v5;
	_ =	sdelay $0x3  }
0x72: {  	v4 =	vperm.xlane v4, v3  }
0x73: {  	[hbm4b:s3+s2] =	stream.indirect_vreg.scatter [tilespmem:s21], [sflag:$0x1], $0x80, v5, vm0, $0xb8;
	[tilespmem:$0xC200] =	vst v63  }
0x74: {  	v4 =	vadd.s32 v2, v4  }
0x75: {  	[hbm4b:s4+s2] =	stream.indirect_vreg.scatter [tilespmem:s22], [sflag:$0x1], $0x80, v5, vm0, $0xb8;
	[tilespmem:$0xC200] =	vst v63  }
0x76: {  	_ = 	snop  }
0x77: {  	[hbm4b:s5+s2] =	stream.indirect_vreg.scatter [tilespmem:s23], [sflag:$0x1], $0x80, v5, vm0, $0xb8;
	[tilespmem:$0xC200] =	vst v63  }
0x78: {  	_ = 	snop  }
0x79: {  	[hbm4b:s3+s2] =	stream.indirect_vreg.scatter [tilespmem:s24], [sflag:$0x1], $0x80, v4, vm0, $0xb8;
	[tilespmem:$0xC200] =	vst v63  }
0x7a: {  	_ = 	snop  }
0x7b: {  	[hbm4b:s4+s2] =	stream.indirect_vreg.scatter [tilespmem:s25], [sflag:$0x1], $0x80, v4, vm0, $0xb8;
	[tilespmem:$0xC200] =	vst v63  }
0x7c: {  	_ = 	snop  }
0x7d: {  	[hbm4b:s5+s2] =	stream.indirect_vreg.scatter [tilespmem:s26], [sflag:$0x1], $0x80, v4, vm0, $0xb8;
	[tilespmem:$0xC200] =	vst v63  }
0x7e: {  	v4 =	vld [tilespmem:$0x130];
	_ =	sdelay $0x4  }
0x7f: {  	v5 =	vshrl.u32 v4, $0x3  }
0x80: {  	v5 =	vmul.u32 $0x30, v5  }
0x81: {  	v4 =	vand.u32 $0x7, v4  }
0x82: {  	v4 =	vor.u32 v4, v5  }
0x83: {  	v5 =	vperm.xlane v4, v1;
	_ =	sdelay $0x1  }
0x84: {  	v5 =	vadd.s32 v2, v5;
	_ =	sdelay $0x3  }
0x85: {  	v4 =	vperm.xlane v4, v3  }
0x86: {  	[hbm4b:s3+s2] =	stream.indirect_vreg.scatter [tilespmem:s28], [sflag:$0x1], $0x80, v5, vm0, $0xb8;
	[tilespmem:$0xC200] =	vst v63  }
0x87: {  	v4 =	vadd.s32 v2, v4  }
0x88: {  	[hbm4b:s4+s2] =	stream.indirect_vreg.scatter [tilespmem:s29], [sflag:$0x1], $0x80, v5, vm0, $0xb8;
	[tilespmem:$0xC200] =	vst v63  }
0x89: {  	_ = 	snop  }
0x8a: {  	[hbm4b:s5+s2] =	stream.indirect_vreg.scatter [tilespmem:s30], [sflag:$0x1], $0x80, v5, vm0, $0xb8;
	[tilespmem:$0xC200] =	vst v63  }
0x8b: {  	_ = 	snop  }
0x8c: {  	[hbm4b:s3+s2] =	stream.indirect_vreg.scatter [tilespmem:s31], [sflag:$0x1], $0x80, v4, vm0, $0xb8;
	[tilespmem:$0xC200] =	vst v63  }
0x8d: {  	_ = 	snop  }
0x8e: {  	[hbm4b:s4+s2] =	stream.indirect_vreg.scatter [tilespmem:s1], [sflag:$0x1], $0x80, v4, vm0, $0xb8;
	[tilespmem:$0xC200] =	vst v63  }
0x8f: {  	_ = 	snop  }
0x90: {  	[hbm4b:s5+s2] =	stream.indirect_vreg.scatter [tilespmem:s0], [sflag:$0x1], $0x80, v4, vm0, $0xb8;
	[tilespmem:$0xC200] =	vst v63  }
0x91: {  	v4 =	vld [tilespmem:$0x180];
	_ =	sdelay $0x4  }
0x92: {  	v5 =	vshrl.u32 v4, $0x3  }
0x93: {  	v5 =	vmul.u32 $0x30, v5  }
0x94: {  	v4 =	vand.u32 $0x7, v4  }
0x95: {  	v4 =	vor.u32 v4, v5  }
0x96: {  	v5 =	vperm.xlane v4, v1;
	_ =	sdelay $0x1  }
0x97: {  	v5 =	vadd.s32 v2, v5;
	_ =	sdelay $0x3  }
0x98: {  	v4 =	vperm.xlane v4, v3  }
0x99: {  	[hbm4b:s3+s2] =	stream.indirect_vreg.scatter [tilespmem:s9], [sflag:$0x1], $0x80, v5, vm0, $0xb8;
	[tilespmem:$0xC200] =	vst v63  }
0x9a: {  	v4 =	vadd.s32 v2, v4  }
0x9b: {  	[hbm4b:s4+s2] =	stream.indirect_vreg.scatter [tilespmem:s10], [sflag:$0x1], $0x80, v5, vm0, $0xb8;
	[tilespmem:$0xC200] =	vst v63  }
0x9c: {  	_ = 	snop  }
0x9d: {  	[hbm4b:s5+s2] =	stream.indirect_vreg.scatter [tilespmem:s11], [sflag:$0x1], $0x80, v5, vm0, $0xb8;
	[tilespmem:$0xC200] =	vst v63  }
0x9e: {  	_ = 	snop  }
0x9f: {  	[hbm4b:s3+s2] =	stream.indirect_vreg.scatter [tilespmem:s12], [sflag:$0x1], $0x80, v4, vm0, $0xb8;
	[tilespmem:$0xC200] =	vst v63  }
0xa0: {  	_ = 	snop  }
0xa1: {  	[hbm4b:s4+s2] =	stream.indirect_vreg.scatter [tilespmem:s13], [sflag:$0x1], $0x80, v4, vm0, $0xb8;
	[tilespmem:$0xC200] =	vst v63  }
0xa2: {  	_ = 	snop  }
0xa3: {  	[hbm4b:s5+s2] =	stream.indirect_vreg.scatter [tilespmem:s14], [sflag:$0x1], $0x80, v4, vm0, $0xb8;
	[tilespmem:$0xC200] =	vst v63  }
0xa4: {  	v4 =	vld [tilespmem:$0x190];
	_ =	sdelay $0x4  }
0xa5: {  	v5 =	vshrl.u32 v4, $0x3  }
0xa6: {  	v5 =	vmul.u32 $0x30, v5  }
0xa7: {  	v4 =	vand.u32 $0x7, v4  }
0xa8: {  	v4 =	vor.u32 v4, v5  }
0xa9: {  	v5 =	vperm.xlane v4, v1;
	_ =	sdelay $0x1  }
0xaa: {  	v5 =	vadd.s32 v2, v5;
	_ =	sdelay $0x3  }
0xab: {  	v4 =	vperm.xlane v4, v3  }
0xac: {  	[hbm4b:s3+s2] =	stream.indirect_vreg.scatter [tilespmem:s15], [sflag:$0x1], $0x80, v5, vm0, $0xb8;
	[tilespmem:$0xC200] =	vst v63  }
0xad: {  	v4 =	vadd.s32 v2, v4  }
0xae: {  	[hbm4b:s4+s2] =	stream.indirect_vreg.scatter [tilespmem:s16], [sflag:$0x1], $0x80, v5, vm0, $0xb8;
	[tilespmem:$0xC200] =	vst v63  }
0xaf: {  	_ = 	snop  }
0xb0: {  	[hbm4b:s5+s2] =	stream.indirect_vreg.scatter [tilespmem:s17], [sflag:$0x1], $0x80, v5, vm0, $0xb8;
	[tilespmem:$0xC200] =	vst v63  }
0xb1: {  	_ = 	snop  }
0xb2: {  	[hbm4b:s3+s2] =	stream.indirect_vreg.scatter [tilespmem:s18], [sflag:$0x1], $0x80, v4, vm0, $0xb8;
	[tilespmem:$0xC200] =	vst v63  }
0xb3: {  	_ = 	snop  }
0xb4: {  	[hbm4b:s4+s2] =	stream.indirect_vreg.scatter [tilespmem:s19], [sflag:$0x1], $0x80, v4, vm0, $0xb8;
	[tilespmem:$0xC200] =	vst v63  }
0xb5: {  	_ = 	snop  }
0xb6: {  	[hbm4b:s5+s2] =	stream.indirect_vreg.scatter [tilespmem:s20], [sflag:$0x1], $0x80, v4, vm0, $0xb8;
	[tilespmem:$0xC200] =	vst v63  }
0xb7: {  	v4 =	vld [tilespmem:$0x1A0];
	_ =	sdelay $0x4  }
0xb8: {  	v5 =	vshrl.u32 v4, $0x3  }
0xb9: {  	v5 =	vmul.u32 $0x30, v5  }
0xba: {  	v4 =	vand.u32 $0x7, v4  }
0xbb: {  	v4 =	vor.u32 v4, v5  }
0xbc: {  	v5 =	vperm.xlane v4, v1;
	_ =	sdelay $0x1  }
0xbd: {  	v5 =	vadd.s32 v2, v5;
	_ =	sdelay $0x3  }
0xbe: {  	v4 =	vperm.xlane v4, v3  }
0xbf: {  	[hbm4b:s3+s2] =	stream.indirect_vreg.scatter [tilespmem:s21], [sflag:$0x1], $0x80, v5, vm0, $0xb8;
	[tilespmem:$0xC200] =	vst v63  }
0xc0: {  	v4 =	vadd.s32 v2, v4  }
0xc1: {  	[hbm4b:s4+s2] =	stream.indirect_vreg.scatter [tilespmem:s22], [sflag:$0x1], $0x80, v5, vm0, $0xb8;
	[tilespmem:$0xC200] =	vst v63  }
0xc2: {  	_ = 	snop  }
0xc3: {  	[hbm4b:s5+s2] =	stream.indirect_vreg.scatter [tilespmem:s23], [sflag:$0x1], $0x80, v5, vm0, $0xb8;
	[tilespmem:$0xC200] =	vst v63  }
0xc4: {  	_ = 	snop  }
0xc5: {  	[hbm4b:s3+s2] =	stream.indirect_vreg.scatter [tilespmem:s24], [sflag:$0x1], $0x80, v4, vm0, $0xb8;
	[tilespmem:$0xC200] =	vst v63  }
0xc6: {  	_ = 	snop  }
0xc7: {  	[hbm4b:s4+s2] =	stream.indirect_vreg.scatter [tilespmem:s25], [sflag:$0x1], $0x80, v4, vm0, $0xb8;
	[tilespmem:$0xC200] =	vst v63  }
0xc8: {  	_ = 	snop  }
0xc9: {  	[hbm4b:s5+s2] =	stream.indirect_vreg.scatter [tilespmem:s26], [sflag:$0x1], $0x80, v4, vm0, $0xb8;
	[tilespmem:$0xC200] =	vst v63  }
0xca: {  	v4 =	vld [tilespmem:$0x1B0];
	_ =	sdelay $0x4  }
0xcb: {  	v5 =	vshrl.u32 v4, $0x3  }
0xcc: {  	v5 =	vmul.u32 $0x30, v5  }
0xcd: {  	v4 =	vand.u32 $0x7, v4  }
0xce: {  	v4 =	vor.u32 v4, v5  }
0xcf: {  	v5 =	vperm.xlane v4, v1;
	_ =	sdelay $0x1  }
0xd0: {  	v5 =	vadd.s32 v2, v5;
	_ =	sdelay $0x3  }
0xd1: {  	v4 =	vperm.xlane v4, v3  }
0xd2: {  	[hbm4b:s3+s2] =	stream.indirect_vreg.scatter [tilespmem:s28], [sflag:$0x1], $0x80, v5, vm0, $0xb8;
	[tilespmem:$0xC200] =	vst v63  }
0xd3: {  	v4 =	vadd.s32 v2, v4  }
0xd4: {  	[hbm4b:s4+s2] =	stream.indirect_vreg.scatter [tilespmem:s29], [sflag:$0x1], $0x80, v5, vm0, $0xb8;
	[tilespmem:$0xC200] =	vst v63  }
0xd5: {  	_ = 	snop  }
0xd6: {  	[hbm4b:s5+s2] =	stream.indirect_vreg.scatter [tilespmem:s30], [sflag:$0x1], $0x80, v5, vm0, $0xb8;
	[tilespmem:$0xC200] =	vst v63  }
0xd7: {  	_ = 	snop  }
0xd8: {  	[hbm4b:s3+s2] =	stream.indirect_vreg.scatter [tilespmem:s31], [sflag:$0x1], $0x80, v4, vm0, $0xb8;
	[tilespmem:$0xC200] =	vst v63  }
0xd9: {  	_ = 	snop  }
0xda: {  	[hbm4b:s4+s2] =	stream.indirect_vreg.scatter [tilespmem:s1], [sflag:$0x1], $0x80, v4, vm0, $0xb8;
	[tilespmem:$0xC200] =	vst v63  }
0xdb: {  	_ = 	snop  }
0xdc: {  	[hbm4b:s5+s2] =	stream.indirect_vreg.scatter [tilespmem:s0], [sflag:$0x1], $0x80, v4, vm0, $0xb8;
	[tilespmem:$0xC200] =	vst v63  }
0xdd: {  	p0 =	sne.s32 s6, $0x1;
	_ =	swait.ge [sflag:s8], $0xC000  }
.Ltmp0:
0xde: {  	[sflag:s8] =	ssyncset.done $0x0;
	(pc) =	sbr.rel @p0 .LBB2_1-.Ltmp0, $4  }
0xdf: {  	[sflag:s8] =	ssyncadd.s32 $0xFFFF4000  }
0xe0: {  	_ =	swait.ge [sflag:s8], $0xC000  }
0xe1: {  	[sflag:s8] =	ssyncset.done $0x0  }
0xe2: {  	s6 =	sadd.s32 $0xFFFFFFFF, s6;
	[sflag:s8] =	ssyncadd.s32 $0xFFFF4000  }
0xe3: {  	_ =	sfence.sel $0x180000  }
0xe4: {  	[bflag:$0x0] =	sbarrier.arrive $0xFFFF  }
0xe5: {  	_ =	strace $0x90000047  }
0xe6: {  	s0 =	stileid.u32;
	[bflag:$0x2] =	sbarrier.arrive $0xFFFF  }
0xe7: {  	p0 =	sne.s32 s0, $0x0;
	s0 =	rddreg [dreg:$0x1]  }
0xe8: {  	s0 =	sadd.s32 @!p0 $0x100000, s0  }
0xe9: {  	[sflag:s0] =	ssyncadd.tile.s32 @!p0 $0x1;
	_ =	shalt  }
.Lfunc_end2:
_tile_overlayer_lowered:
.L_overlay_start_2:
0xea: {  	(tag) =	ssettag $0x2  }
0xeb: {  	s0 =	rddreg [dreg:$0x0];
	s2 =	stileid.u32  }
0xec: {  	s1 =	rddreg [dreg:$0x1];
	p0 =	sne.s32 s2, $0x0  }
0xed: {  	s3 =	rddreg [dreg:$0x2];
	[bflag:$0x3] =	sbarrier.arrive $0xFFFF;
	s2 =	simm.s32 @!p0 $0x1C02  }
0xee: {  	[timem:s3], [sflag:s2] =	dma.local @!p0 [hbm:s0], s1  }
0xef: {  	s0 =	simm.s32 @!p0 $0x2  }
0xf0: {  	_ =	swait.ge @!p0 [sflag:s0], s1  }
0xf1: {  	s1 =	ssub.s32 @!p0 $0x0, s1;
	[sflag:s0] =	ssyncset.done @!p0 $0x0  }
0xf2: {  	[sflag:s0] =	ssyncadd.s32 @!p0 s1  }
0xf3: {  	[bflag:$0x3] =	sbarrier.arrive $0xFFFF  }
0xf4: {  	_ =	shalt  }

</sc_bundles>
